<compile_context>
chip_gen: v7x
topology: tpu7x:2x2x1
jax: 0.10.2.dev20260603
libtpu: 0.0.44.dev20260713+nightly
codegen_flags: <defaults>
</compile_context>

<pallas_src>
import jax
import jax.numpy as jnp
import numpy as np
from jax.experimental import pallas as pl

DIM = 128
J = 17
G = 32
G8 = G * 8
RG = G * J
NG = 3
TILE = G * NG
R = TILE * J


def _body(x_ref, att_ref, w_ref, b_ref, ls_ref, w1_ref, w2_ref,
          m_ref, sb_ref, bias_ref, out_ref, gf_ref):
    f32 = jnp.float32
    bf16 = jnp.bfloat16
    pieces = []
    for g in range(NG):
        t0 = g * G
        pieces.append(x_ref[t0:t0 + G, 0:8, :].reshape(G8, DIM))
        pieces.append(x_ref[t0:t0 + G, 8:16, :].reshape(G8, DIM))
        pieces.append(x_ref[t0:t0 + G, 16, :])
    xw = jnp.concatenate(pieces, axis=0)

    ones = jnp.full((DIM, DIM), 1.0 / DIM, bf16)
    x16 = xw.astype(bf16)
    mu = jnp.dot(x16, ones, preferred_element_type=f32)
    m2 = jnp.dot(x16 * x16, ones, preferred_element_type=f32)
    xn = (xw - mu) * jax.lax.rsqrt(m2 - mu * mu + 1e-5) * w_ref[...] \
        + b_ref[...]
    xn16 = xn.astype(bf16)

    y = jnp.concatenate(
        [jnp.dot(m_ref[...], xn16[c * RG:(c + 1) * RG],
                 preferred_element_type=f32) for c in range(NG)], axis=0)
    y16 = y.astype(bf16)
    h = (jnp.dot(xn16, w1_ref[...], preferred_element_type=f32)
         + jnp.dot(y16, w2_ref[...], preferred_element_type=f32))
    g_ = jnp.maximum(xn + h * sb_ref[...] + bias_ref[...], 0.0)
    xs = ls_ref[...] * g_
    s2 = xs + xw

    for g in range(NG):
        t0 = g * G
        base = g * RG
        out_ref[t0:t0 + G, 0:8, :] = (
            s2[base:base + G8].reshape(G, 8, DIM) + att_ref[t0:t0 + G, 0:8, :])
        out_ref[t0:t0 + G, 8:16, :] = (
            s2[base + G8:base + 2 * G8].reshape(G, 8, DIM)
            + att_ref[t0:t0 + G, 8:16, :])
        out_ref[t0:t0 + G, 16, :] = (
            s2[base + 2 * G8:base + RG] + att_ref[t0:t0 + G, 16, :])
        gf_ref[t0:t0 + G, 0:8, :] = 0.5 * xs[base:base + G8].reshape(G, 8, DIM)
        gf_ref[t0:t0 + G, 8:16, :] = \
            0.5 * xs[base + G8:base + 2 * G8].reshape(G, 8, DIM)
        gf_ref[t0:t0 + G, 16, :] = 0.5 * xs[base + 2 * G8:base + RG]


_PERM_G = np.concatenate([
    np.array([t * J + j for t in range(G) for j in range(8)]),
    np.array([t * J + j for t in range(G) for j in range(8, 16)]),
    np.array([t * J + 16 for t in range(G)]),
])
_PERM_R = np.concatenate([g * RG + _PERM_G for g in range(NG)])


@jax.jit
def kernel(x, attention_feat, norm1_w, norm1_b, ls1, U_w, U_b, V_w, V_b,
           bn_w, bn_b, adj):
    B, T, Jdim, D = x.shape
    BT = B * T
    x3 = x.reshape(BT, Jdim, D)
    att3 = attention_feat.reshape(BT, Jdim, D)

    deg = adj.sum(-1)
    dinv = deg ** -0.5
    na = dinv[:, None] * adj * dinv[None, :]
    permg = jnp.asarray(_PERM_G)
    m0 = jnp.kron(jnp.eye(G, dtype=jnp.float32), na)
    mp = m0[permg][:, permg].astype(jnp.bfloat16)

    s = bn_w * (1.0 / jnp.sqrt(1.0 + 1e-5))
    rs = na.sum(-1)
    bias17 = (U_b[None, :] + rs[:, None] * V_b[None, :]) * s[:, None] \
        + bn_b[:, None]
    permr = jnp.asarray(_PERM_R)
    sbR = jnp.broadcast_to(jnp.tile(s, TILE)[:, None], (R, D))[permr]
    biasR = jnp.tile(bias17, (TILE, 1))[permr]

    w1 = U_w.T.astype(jnp.bfloat16)
    w2 = V_w.T.astype(jnp.bfloat16)
    lw = norm1_w.reshape(1, D)
    lb = norm1_b.reshape(1, D)
    ls = ls1.reshape(1, D)

    grid = (BT // TILE,)
    tok_spec = pl.BlockSpec((TILE, Jdim, D), lambda i: (i, 0, 0))
    const = lambda shape: pl.BlockSpec(shape, lambda i: (0,) * len(shape))
    out3, gf3 = pl.pallas_call(
        _body,
        grid=grid,
        in_specs=[
            tok_spec,
            tok_spec,
            const((1, D)),
            const((1, D)),
            const((1, D)),
            const((D, D)),
            const((D, D)),
            const((RG, RG)),
            const((R, D)),
            const((R, D)),
        ],
        out_specs=(tok_spec, tok_spec),
        out_shape=(jax.ShapeDtypeStruct((BT, Jdim, D), jnp.float32),
                   jax.ShapeDtypeStruct((BT, Jdim, D), jnp.float32)),
    )(x3, att3, lw, lb, ls, w1, w2, mp, sbR, biasR)
    return (out3.reshape(B, T, Jdim, D), gf3.reshape(B, T, Jdim, D))

# --- scband reference (transcript-rebuilt; emitter-appended) ---
"""Pipeline reference for scband-graph-block-57844619542924 (READ-ONLY COPY).

The authoritative reference and input builder live on the scoring server;
editing this copy changes nothing except your own understanding.
"""

import jax, jax.numpy as jnp
import numpy as np

DIM = 128
J = 17
B, T = 32, 243


def _build_adj():
    CONNECTIONS = {10: [9], 9: [8, 10], 8: [7, 9], 7: [0, 8], 0: [1, 7, 4],
                   1: [2, 0], 2: [3, 1], 3: [2], 4: [5, 0], 5: [6, 4], 6: [5],
                   11: [12, 8], 12: [13, 11], 13: [12], 14: [15, 8],
                   15: [16, 14], 16: [15]}
    adj = np.zeros((J, J), np.float32)
    for i, ns in CONNECTIONS.items():
        for jn in ns:
            adj[i, jn] = 1.0
    return jnp.asarray(adj)


def setup_inputs(seed: int = 0):
    key = jax.random.key(seed)
    ks = jax.random.split(key, 8)
    x = jax.random.normal(ks[0], (B, T, J, DIM), jnp.float32)
    attention_feat = jax.random.normal(ks[1], (B, T, J, DIM), jnp.float32)
    std = float(np.sqrt(2.0 / DIM))
    U_w = jax.random.normal(ks[2], (DIM, DIM), jnp.float32) * std
    V_w = jax.random.normal(ks[3], (DIM, DIM), jnp.float32) * std
    return {
        'x': x,
        'attention_feat': attention_feat,
        'norm1_w': jnp.ones((DIM,), jnp.float32),
        'norm1_b': jnp.zeros((DIM,), jnp.float32),
        'ls1': jnp.full((DIM,), 1e-05, jnp.float32),
        'U_w': U_w,
        'U_b': jnp.zeros((DIM,), jnp.float32),
        'V_w': V_w,
        'V_b': jnp.zeros((DIM,), jnp.float32),
        'bn_w': jnp.ones((J,), jnp.float32),
        'bn_b': jnp.zeros((J,), jnp.float32),
        'adj': _build_adj(),
    }


def _layernorm(x, w, b, eps=1e-05):
    mu = x.mean(-1, keepdims=True)
    var = ((x - mu) ** 2).mean(-1, keepdims=True)
    return (x - mu) / jnp.sqrt(var + eps) * w + b


def _normalize_digraph(adj):
    # matches GCN.normalize_digraph: D^{-1/2} A D^{-1/2} with D[i,i]=deg(i)
    deg = adj.sum(-1)
    dinv = deg ** -0.5
    D = jnp.eye(adj.shape[0], dtype=adj.dtype) * dinv[:, None]
    return D @ adj @ D


def _gcn(xn, adj, U_w, U_b, V_w, V_b, bn_w, bn_b):
    b, t, j, c = xn.shape
    xr = xn.reshape(b * t, j, c)
    na = _normalize_digraph(adj)
    aggregate = jnp.einsum('jk,bkc->bjc', na, xr @ V_w.T + V_b)
    h = aggregate + (xr @ U_w.T + U_b)
    # BatchNorm1d(num_nodes=J) in eval mode with running_mean=0, running_var=1
    hbn = h / jnp.sqrt(1.0 + 1e-05) * bn_w[None, :, None] + bn_b[None, :, None]
    out = jax.nn.relu(xr + hbn)
    return out.reshape(b, t, j, c)


def reference(x, attention_feat, norm1_w, norm1_b, ls1, U_w, U_b, V_w, V_b, bn_w, bn_b, adj):
    res = x
    g = _gcn(_layernorm(x, norm1_w, norm1_b), adj, U_w, U_b, V_w, V_b, bn_w, bn_b)
    xs = ls1[None, None, :] * g  # layer_scale_1; DropPath=Identity (drop_path=0)
    graph_feat = xs * 0.5        # s_gcn2attn=0.5; Dropout identity in eval
    out = xs + attention_feat + res
    return (out, graph_feat)

if __name__ == "__main__":
    import jax
    _d = setup_inputs()
    print(jax.jit(kernel)(*tuple(_d.values())))

</pallas_src>

<mosaic_0001>
module attributes {stable_mosaic.version = 14 : i64} {
  func.func @_body(%arg0: i32, %arg1: memref<96x17x128xf32, #tpu.memory_space<vmem>>, %arg2: memref<96x17x128xf32, #tpu.memory_space<vmem>>, %arg3: memref<1x128xf32, #tpu.memory_space<vmem>>, %arg4: memref<1x128xf32, #tpu.memory_space<vmem>>, %arg5: memref<1x128xf32, #tpu.memory_space<vmem>>, %arg6: memref<128x128xbf16, #tpu.memory_space<vmem>>, %arg7: memref<128x128xbf16, #tpu.memory_space<vmem>>, %arg8: memref<544x544xbf16, #tpu.memory_space<vmem>>, %arg9: memref<1632x128xf32, #tpu.memory_space<vmem>>, %arg10: memref<1632x128xf32, #tpu.memory_space<vmem>>, %arg11: memref<96x17x128xf32, #tpu.memory_space<vmem>>, %arg12: memref<96x17x128xf32, #tpu.memory_space<vmem>>) attributes {dimension_semantics = [#tpu.dimension_semantics<arbitrary>], iteration_bounds = array<i64: 81>, scalar_prefetch = 0 : i64, scratch_operands = 0 : i64, tpu.core_type = #tpu.core_type<tc>, window_params = [{transform_indices = @transform_0, window_bounds = array<i64: 96, 17, 128>}, {transform_indices = @transform_1, window_bounds = array<i64: 96, 17, 128>}, {pipeline_mode = #tpu.pipeline_mode<synchronous>, transform_indices = @transform_2, window_bounds = array<i64: 1, 128>}, {pipeline_mode = #tpu.pipeline_mode<synchronous>, transform_indices = @transform_3, window_bounds = array<i64: 1, 128>}, {pipeline_mode = #tpu.pipeline_mode<synchronous>, transform_indices = @transform_4, window_bounds = array<i64: 1, 128>}, {pipeline_mode = #tpu.pipeline_mode<synchronous>, transform_indices = @transform_5, window_bounds = array<i64: 128, 128>}, {pipeline_mode = #tpu.pipeline_mode<synchronous>, transform_indices = @transform_6, window_bounds = array<i64: 128, 128>}, {pipeline_mode = #tpu.pipeline_mode<synchronous>, transform_indices = @transform_7, window_bounds = array<i64: 544, 544>}, {pipeline_mode = #tpu.pipeline_mode<synchronous>, transform_indices = @transform_8, window_bounds = array<i64: 1632, 128>}, {pipeline_mode = #tpu.pipeline_mode<synchronous>, transform_indices = @transform_9, window_bounds = array<i64: 1632, 128>}, {transform_indices = @transform_10, window_bounds = array<i64: 96, 17, 128>}, {transform_indices = @transform_11, window_bounds = array<i64: 96, 17, 128>}]} {
    %get3A = arith.constant 0 : index
    %get3A_0 = arith.constant 0 : index
    %get3A_1 = arith.constant 0 : index
    %get3A_2 = vector.load %arg1[%get3A, %get3A_0, %get3A_1] : memref<96x17x128xf32, #tpu.memory_space<vmem>>, vector<32x8x128xf32>
    %reshape3A = vector.shape_cast %get3A_2 : vector<32x8x128xf32> to vector<256x128xf32>
    %get3A_3 = arith.constant 0 : index
    %get3A_4 = arith.constant 8 : index
    %get3A_5 = arith.constant 0 : index
    %get3A_6 = vector.load %arg1[%get3A_3, %get3A_4, %get3A_5] : memref<96x17x128xf32, #tpu.memory_space<vmem>>, vector<32x8x128xf32>
    %reshape3A_7 = vector.shape_cast %get3A_6 : vector<32x8x128xf32> to vector<256x128xf32>
    %get3A_8 = arith.constant 0 : index
    %get3A_9 = arith.constant 16 : index
    %get3A_10 = arith.constant 0 : index
    %get3A_11 = vector.load %arg1[%get3A_8, %get3A_9, %get3A_10] : memref<96x17x128xf32, #tpu.memory_space<vmem>>, vector<32x1x128xf32>
    %get3A_12 = vector.shape_cast %get3A_11 : vector<32x1x128xf32> to vector<32x128xf32>
    %get3A_13 = arith.constant 32 : index
    %get3A_14 = arith.constant 0 : index
    %get3A_15 = arith.constant 0 : index
    %get3A_16 = vector.load %arg1[%get3A_13, %get3A_14, %get3A_15] : memref<96x17x128xf32, #tpu.memory_space<vmem>>, vector<32x8x128xf32>
    %reshape3A_17 = vector.shape_cast %get3A_16 : vector<32x8x128xf32> to vector<256x128xf32>
    %get3A_18 = arith.constant 32 : index
    %get3A_19 = arith.constant 8 : index
    %get3A_20 = arith.constant 0 : index
    %get3A_21 = vector.load %arg1[%get3A_18, %get3A_19, %get3A_20] : memref<96x17x128xf32, #tpu.memory_space<vmem>>, vector<32x8x128xf32>
    %reshape3A_22 = vector.shape_cast %get3A_21 : vector<32x8x128xf32> to vector<256x128xf32>
    %get3A_23 = arith.constant 32 : index
    %get3A_24 = arith.constant 16 : index
    %get3A_25 = arith.constant 0 : index
    %get3A_26 = vector.load %arg1[%get3A_23, %get3A_24, %get3A_25] : memref<96x17x128xf32, #tpu.memory_space<vmem>>, vector<32x1x128xf32>
    %get3A_27 = vector.shape_cast %get3A_26 : vector<32x1x128xf32> to vector<32x128xf32>
    %get3A_28 = arith.constant 64 : index
    %get3A_29 = arith.constant 0 : index
    %get3A_30 = arith.constant 0 : index
    %get3A_31 = vector.load %arg1[%get3A_28, %get3A_29, %get3A_30] : memref<96x17x128xf32, #tpu.memory_space<vmem>>, vector<32x8x128xf32>
    %reshape3A_32 = vector.shape_cast %get3A_31 : vector<32x8x128xf32> to vector<256x128xf32>
    %get3A_33 = arith.constant 64 : index
    %get3A_34 = arith.constant 8 : index
    %get3A_35 = arith.constant 0 : index
    %get3A_36 = vector.load %arg1[%get3A_33, %get3A_34, %get3A_35] : memref<96x17x128xf32, #tpu.memory_space<vmem>>, vector<32x8x128xf32>
    %reshape3A_37 = vector.shape_cast %get3A_36 : vector<32x8x128xf32> to vector<256x128xf32>
    %get3A_38 = arith.constant 64 : index
    %get3A_39 = arith.constant 16 : index
    %get3A_40 = arith.constant 0 : index
    %get3A_41 = vector.load %arg1[%get3A_38, %get3A_39, %get3A_40] : memref<96x17x128xf32, #tpu.memory_space<vmem>>, vector<32x1x128xf32>
    %get3A_42 = vector.shape_cast %get3A_41 : vector<32x1x128xf32> to vector<32x128xf32>
    %concatenate3A = tpu.concatenate %reshape3A, %reshape3A_7, %get3A_12, %reshape3A_17, %reshape3A_22, %get3A_27, %reshape3A_32, %reshape3A_37, %get3A_42 in 0 : vector<256x128xf32>, vector<256x128xf32>, vector<32x128xf32>, vector<256x128xf32>, vector<256x128xf32>, vector<32x128xf32>, vector<256x128xf32>, vector<256x128xf32>, vector<32x128xf32> -> vector<1632x128xf32>
    %broadcast_in_dim3A = arith.constant 7.812500e-03 : bf16
    %broadcast_in_dim3A_43 = vector.broadcast %broadcast_in_dim3A : bf16 to vector<128x128xbf16>
    %convert_element_type3A = arith.truncf %concatenate3A : vector<1632x128xf32> to vector<1632x128xbf16>
    %dot_general3A = arith.constant dense<0.000000e+00> : vector<1632x128xf32>
    %dot_general3A_44 = tpu.matmul %convert_element_type3A, %broadcast_in_dim3A_43, %dot_general3A {dimension_numbers = #tpu.dot_dimension_numbers<[1], [0], [0], [1], [0, 0, 1, 1], [], []>, transpose_lhs_hint = false} : vector<1632x128xbf16>, vector<128x128xbf16>, vector<1632x128xf32> -> vector<1632x128xf32>
    %mul3A = arith.mulf %convert_element_type3A, %convert_element_type3A : vector<1632x128xbf16>
    %dot_general3A_45 = arith.constant dense<0.000000e+00> : vector<1632x128xf32>
    %dot_general3A_46 = tpu.matmul %mul3A, %broadcast_in_dim3A_43, %dot_general3A_45 {dimension_numbers = #tpu.dot_dimension_numbers<[1], [0], [0], [1], [0, 0, 1, 1], [], []>, transpose_lhs_hint = false} : vector<1632x128xbf16>, vector<128x128xbf16>, vector<1632x128xf32> -> vector<1632x128xf32>
    %sub3A = arith.subf %concatenate3A, %dot_general3A_44 : vector<1632x128xf32>
    %mul3A_47 = arith.mulf %dot_general3A_44, %dot_general3A_44 : vector<1632x128xf32>
    %sub3A_48 = arith.subf %dot_general3A_46, %mul3A_47 : vector<1632x128xf32>
    %add3A = arith.constant 9.99999974E-6 : f32
    %add3A_49 = vector.broadcast %add3A : f32 to vector<1632x128xf32>
    %add3A_50 = arith.addf %sub3A_48, %add3A_49 : vector<1632x128xf32>
    %rsqrt3A = math.rsqrt %add3A_50 : vector<1632x128xf32>
    %mul3A_51 = arith.mulf %sub3A, %rsqrt3A : vector<1632x128xf32>
    %get3A_52 = arith.constant 0 : index
    %get3A_53 = arith.constant 0 : index
    %get3A_54 = vector.load %arg3[%get3A_52, %get3A_53] : memref<1x128xf32, #tpu.memory_space<vmem>>, vector<1x128xf32>
    %mul3A_55 = vector.broadcast %get3A_54 : vector<1x128xf32> to vector<1632x128xf32>
    %mul3A_56 = arith.mulf %mul3A_51, %mul3A_55 : vector<1632x128xf32>
    %get3A_57 = arith.constant 0 : index
    %get3A_58 = arith.constant 0 : index
    %get3A_59 = vector.load %arg4[%get3A_57, %get3A_58] : memref<1x128xf32, #tpu.memory_space<vmem>>, vector<1x128xf32>
    %add3A_60 = vector.broadcast %get3A_59 : vector<1x128xf32> to vector<1632x128xf32>
    %add3A_61 = arith.addf %mul3A_56, %add3A_60 : vector<1632x128xf32>
    %convert_element_type3A_62 = arith.truncf %add3A_61 : vector<1632x128xf32> to vector<1632x128xbf16>
    %get3A_63 = arith.constant 0 : index
    %get3A_64 = arith.constant 0 : index
    %get3A_65 = vector.load %arg8[%get3A_63, %get3A_64] : memref<544x544xbf16, #tpu.memory_space<vmem>>, vector<544x544xbf16>
    %slice3A = vector.extract_strided_slice %convert_element_type3A_62 {offsets = [0, 0], sizes = [544, 128], strides = [1, 1]} : vector<1632x128xbf16> to vector<544x128xbf16>
    %dot_general3A_66 = arith.constant dense<0.000000e+00> : vector<544x128xf32>
    %dot_general3A_67 = tpu.matmul %get3A_65, %slice3A, %dot_general3A_66 {dimension_numbers = #tpu.dot_dimension_numbers<[1], [0], [0], [1], [0, 0, 1, 1], [], []>, transpose_lhs_hint = false} : vector<544x544xbf16>, vector<544x128xbf16>, vector<544x128xf32> -> vector<544x128xf32>
    %get3A_68 = arith.constant 0 : index
    %get3A_69 = arith.constant 0 : index
    %get3A_70 = vector.load %arg8[%get3A_68, %get3A_69] : memref<544x544xbf16, #tpu.memory_space<vmem>>, vector<544x544xbf16>
    %slice3A_71 = vector.extract_strided_slice %convert_element_type3A_62 {offsets = [544, 0], sizes = [544, 128], strides = [1, 1]} : vector<1632x128xbf16> to vector<544x128xbf16>
    %dot_general3A_72 = arith.constant dense<0.000000e+00> : vector<544x128xf32>
    %dot_general3A_73 = tpu.matmul %get3A_70, %slice3A_71, %dot_general3A_72 {dimension_numbers = #tpu.dot_dimension_numbers<[1], [0], [0], [1], [0, 0, 1, 1], [], []>, transpose_lhs_hint = false} : vector<544x544xbf16>, vector<544x128xbf16>, vector<544x128xf32> -> vector<544x128xf32>
    %get3A_74 = arith.constant 0 : index
    %get3A_75 = arith.constant 0 : index
    %get3A_76 = vector.load %arg8[%get3A_74, %get3A_75] : memref<544x544xbf16, #tpu.memory_space<vmem>>, vector<544x544xbf16>
    %slice3A_77 = vector.extract_strided_slice %convert_element_type3A_62 {offsets = [1088, 0], sizes = [544, 128], strides = [1, 1]} : vector<1632x128xbf16> to vector<544x128xbf16>
    %dot_general3A_78 = arith.constant dense<0.000000e+00> : vector<544x128xf32>
    %dot_general3A_79 = tpu.matmul %get3A_76, %slice3A_77, %dot_general3A_78 {dimension_numbers = #tpu.dot_dimension_numbers<[1], [0], [0], [1], [0, 0, 1, 1], [], []>, transpose_lhs_hint = false} : vector<544x544xbf16>, vector<544x128xbf16>, vector<544x128xf32> -> vector<544x128xf32>
    %concatenate3A_80 = tpu.concatenate %dot_general3A_67, %dot_general3A_73, %dot_general3A_79 in 0 : vector<544x128xf32>, vector<544x128xf32>, vector<544x128xf32> -> vector<1632x128xf32>
    %convert_element_type3A_81 = arith.truncf %concatenate3A_80 : vector<1632x128xf32> to vector<1632x128xbf16>
    %get3A_82 = arith.constant 0 : index
    %get3A_83 = arith.constant 0 : index
    %get3A_84 = vector.load %arg6[%get3A_82, %get3A_83] : memref<128x128xbf16, #tpu.memory_space<vmem>>, vector<128x128xbf16>
    %dot_general3A_85 = arith.constant dense<0.000000e+00> : vector<1632x128xf32>
    %dot_general3A_86 = tpu.matmul %convert_element_type3A_62, %get3A_84, %dot_general3A_85 {dimension_numbers = #tpu.dot_dimension_numbers<[1], [0], [0], [1], [0, 0, 1, 1], [], []>, transpose_lhs_hint = false} : vector<1632x128xbf16>, vector<128x128xbf16>, vector<1632x128xf32> -> vector<1632x128xf32>
    %get3A_87 = arith.constant 0 : index
    %get3A_88 = arith.constant 0 : index
    %get3A_89 = vector.load %arg7[%get3A_87, %get3A_88] : memref<128x128xbf16, #tpu.memory_space<vmem>>, vector<128x128xbf16>
    %dot_general3A_90 = arith.constant dense<0.000000e+00> : vector<1632x128xf32>
    %dot_general3A_91 = tpu.matmul %convert_element_type3A_81, %get3A_89, %dot_general3A_90 {dimension_numbers = #tpu.dot_dimension_numbers<[1], [0], [0], [1], [0, 0, 1, 1], [], []>, transpose_lhs_hint = false} : vector<1632x128xbf16>, vector<128x128xbf16>, vector<1632x128xf32> -> vector<1632x128xf32>
    %add3A_92 = arith.addf %dot_general3A_86, %dot_general3A_91 : vector<1632x128xf32>
    %get3A_93 = arith.constant 0 : index
    %get3A_94 = arith.constant 0 : index
    %get3A_95 = vector.load %arg9[%get3A_93, %get3A_94] : memref<1632x128xf32, #tpu.memory_space<vmem>>, vector<1632x128xf32>
    %mul3A_96 = arith.mulf %add3A_92, %get3A_95 : vector<1632x128xf32>
    %add3A_97 = arith.addf %add3A_61, %mul3A_96 : vector<1632x128xf32>
    %get3A_98 = arith.constant 0 : index
    %get3A_99 = arith.constant 0 : index
    %get3A_100 = vector.load %arg10[%get3A_98, %get3A_99] : memref<1632x128xf32, #tpu.memory_space<vmem>>, vector<1632x128xf32>
    %add3A_101 = arith.addf %add3A_97, %get3A_100 : vector<1632x128xf32>
    %max3A = arith.constant 0.000000e+00 : f32
    %max3A_102 = vector.broadcast %max3A : f32 to vector<1632x128xf32>
    %max3A_103 = arith.maximumf %add3A_101, %max3A_102 : vector<1632x128xf32>
    %get3A_104 = arith.constant 0 : index
    %get3A_105 = arith.constant 0 : index
    %get3A_106 = vector.load %arg5[%get3A_104, %get3A_105] : memref<1x128xf32, #tpu.memory_space<vmem>>, vector<1x128xf32>
    %mul3A_107 = vector.broadcast %get3A_106 : vector<1x128xf32> to vector<1632x128xf32>
    %mul3A_108 = arith.mulf %mul3A_107, %max3A_103 : vector<1632x128xf32>
    %add3A_109 = arith.addf %mul3A_108, %concatenate3A : vector<1632x128xf32>
    %slice3A_110 = vector.extract_strided_slice %add3A_109 {offsets = [0, 0], sizes = [256, 128], strides = [1, 1]} : vector<1632x128xf32> to vector<256x128xf32>
    %reshape3A_111 = vector.shape_cast %slice3A_110 : vector<256x128xf32> to vector<32x8x128xf32>
    %get3A_112 = arith.constant 0 : index
    %get3A_113 = arith.constant 0 : index
    %get3A_114 = arith.constant 0 : index
    %get3A_115 = vector.load %arg2[%get3A_112, %get3A_113, %get3A_114] : memref<96x17x128xf32, #tpu.memory_space<vmem>>, vector<32x8x128xf32>
    %add3A_116 = arith.addf %reshape3A_111, %get3A_115 : vector<32x8x128xf32>
    %swap3A = arith.constant 0 : index
    %swap3A_117 = arith.constant 0 : index
    %swap3A_118 = arith.constant 0 : index
    %swap3A_119 = vector.load %arg11[%swap3A, %swap3A_117, %swap3A_118] : memref<96x17x128xf32, #tpu.memory_space<vmem>>, vector<32x8x128xf32>
    tpu.vector_store %arg11[%swap3A, %swap3A_117, %swap3A_118], %add3A_116 {strides = array<i32>} : memref<96x17x128xf32, #tpu.memory_space<vmem>>, vector<32x8x128xf32>,
    %slice3A_120 = vector.extract_strided_slice %add3A_109 {offsets = [256, 0], sizes = [256, 128], strides = [1, 1]} : vector<1632x128xf32> to vector<256x128xf32>
    %reshape3A_121 = vector.shape_cast %slice3A_120 : vector<256x128xf32> to vector<32x8x128xf32>
    %get3A_122 = arith.constant 0 : index
    %get3A_123 = arith.constant 8 : index
    %get3A_124 = arith.constant 0 : index
    %get3A_125 = vector.load %arg2[%get3A_122, %get3A_123, %get3A_124] : memref<96x17x128xf32, #tpu.memory_space<vmem>>, vector<32x8x128xf32>
    %add3A_126 = arith.addf %reshape3A_121, %get3A_125 : vector<32x8x128xf32>
    %swap3A_127 = arith.constant 0 : index
    %swap3A_128 = arith.constant 8 : index
    %swap3A_129 = arith.constant 0 : index
    %swap3A_130 = vector.load %arg11[%swap3A_127, %swap3A_128, %swap3A_129] : memref<96x17x128xf32, #tpu.memory_space<vmem>>, vector<32x8x128xf32>
    tpu.vector_store %arg11[%swap3A_127, %swap3A_128, %swap3A_129], %add3A_126 {strides = array<i32>} : memref<96x17x128xf32, #tpu.memory_space<vmem>>, vector<32x8x128xf32>,
    %slice3A_131 = vector.extract_strided_slice %add3A_109 {offsets = [512, 0], sizes = [32, 128], strides = [1, 1]} : vector<1632x128xf32> to vector<32x128xf32>
    %get3A_132 = arith.constant 0 : index
    %get3A_133 = arith.constant 16 : index
    %get3A_134 = arith.constant 0 : index
    %get3A_135 = vector.load %arg2[%get3A_132, %get3A_133, %get3A_134] : memref<96x17x128xf32, #tpu.memory_space<vmem>>, vector<32x1x128xf32>
    %get3A_136 = vector.shape_cast %get3A_135 : vector<32x1x128xf32> to vector<32x128xf32>
    %add3A_137 = arith.addf %slice3A_131, %get3A_136 : vector<32x128xf32>
    %swap3A_138 = arith.constant 0 : index
    %swap3A_139 = arith.constant 16 : index
    %swap3A_140 = arith.constant 0 : index
    %swap3A_141 = vector.load %arg11[%swap3A_138, %swap3A_139, %swap3A_140] : memref<96x17x128xf32, #tpu.memory_space<vmem>>, vector<32x1x128xf32>
    %swap3A_142 = vector.shape_cast %swap3A_141 : vector<32x1x128xf32> to vector<32x128xf32>
    %swap3A_143 = vector.shape_cast %add3A_137 : vector<32x128xf32> to vector<32x1x128xf32>
    tpu.vector_store %arg11[%swap3A_138, %swap3A_139, %swap3A_140], %swap3A_143 {strides = array<i32>} : memref<96x17x128xf32, #tpu.memory_space<vmem>>, vector<32x1x128xf32>,
    %slice3A_144 = vector.extract_strided_slice %mul3A_108 {offsets = [0, 0], sizes = [256, 128], strides = [1, 1]} : vector<1632x128xf32> to vector<256x128xf32>
    %reshape3A_145 = vector.shape_cast %slice3A_144 : vector<256x128xf32> to vector<32x8x128xf32>
    %mul3A_146 = arith.constant 5.000000e-01 : f32
    %mul3A_147 = vector.broadcast %mul3A_146 : f32 to vector<32x8x128xf32>
    %mul3A_148 = arith.mulf %mul3A_147, %reshape3A_145 : vector<32x8x128xf32>
    %swap3A_149 = arith.constant 0 : index
    %swap3A_150 = arith.constant 0 : index
    %swap3A_151 = arith.constant 0 : index
    %swap3A_152 = vector.load %arg12[%swap3A_149, %swap3A_150, %swap3A_151] : memref<96x17x128xf32, #tpu.memory_space<vmem>>, vector<32x8x128xf32>
    tpu.vector_store %arg12[%swap3A_149, %swap3A_150, %swap3A_151], %mul3A_148 {strides = array<i32>} : memref<96x17x128xf32, #tpu.memory_space<vmem>>, vector<32x8x128xf32>,
    %slice3A_153 = vector.extract_strided_slice %mul3A_108 {offsets = [256, 0], sizes = [256, 128], strides = [1, 1]} : vector<1632x128xf32> to vector<256x128xf32>
    %reshape3A_154 = vector.shape_cast %slice3A_153 : vector<256x128xf32> to vector<32x8x128xf32>
    %mul3A_155 = arith.constant 5.000000e-01 : f32
    %mul3A_156 = vector.broadcast %mul3A_155 : f32 to vector<32x8x128xf32>
    %mul3A_157 = arith.mulf %mul3A_156, %reshape3A_154 : vector<32x8x128xf32>
    %swap3A_158 = arith.constant 0 : index
    %swap3A_159 = arith.constant 8 : index
    %swap3A_160 = arith.constant 0 : index
    %swap3A_161 = vector.load %arg12[%swap3A_158, %swap3A_159, %swap3A_160] : memref<96x17x128xf32, #tpu.memory_space<vmem>>, vector<32x8x128xf32>
    tpu.vector_store %arg12[%swap3A_158, %swap3A_159, %swap3A_160], %mul3A_157 {strides = array<i32>} : memref<96x17x128xf32, #tpu.memory_space<vmem>>, vector<32x8x128xf32>,
    %slice3A_162 = vector.extract_strided_slice %mul3A_108 {offsets = [512, 0], sizes = [32, 128], strides = [1, 1]} : vector<1632x128xf32> to vector<32x128xf32>
    %mul3A_163 = arith.constant 5.000000e-01 : f32
    %mul3A_164 = vector.broadcast %mul3A_163 : f32 to vector<32x128xf32>
    %mul3A_165 = arith.mulf %mul3A_164, %slice3A_162 : vector<32x128xf32>
    %swap3A_166 = arith.constant 0 : index
    %swap3A_167 = arith.constant 16 : index
    %swap3A_168 = arith.constant 0 : index
    %swap3A_169 = vector.load %arg12[%swap3A_166, %swap3A_167, %swap3A_168] : memref<96x17x128xf32, #tpu.memory_space<vmem>>, vector<32x1x128xf32>
    %swap3A_170 = vector.shape_cast %swap3A_169 : vector<32x1x128xf32> to vector<32x128xf32>
    %swap3A_171 = vector.shape_cast %mul3A_165 : vector<32x128xf32> to vector<32x1x128xf32>
    tpu.vector_store %arg12[%swap3A_166, %swap3A_167, %swap3A_168], %swap3A_171 {strides = array<i32>} : memref<96x17x128xf32, #tpu.memory_space<vmem>>, vector<32x1x128xf32>,
    %slice3A_172 = vector.extract_strided_slice %add3A_109 {offsets = [544, 0], sizes = [256, 128], strides = [1, 1]} : vector<1632x128xf32> to vector<256x128xf32>
    %reshape3A_173 = vector.shape_cast %slice3A_172 : vector<256x128xf32> to vector<32x8x128xf32>
    %get3A_174 = arith.constant 32 : index
    %get3A_175 = arith.constant 0 : index
    %get3A_176 = arith.constant 0 : index
    %get3A_177 = vector.load %arg2[%get3A_174, %get3A_175, %get3A_176] : memref<96x17x128xf32, #tpu.memory_space<vmem>>, vector<32x8x128xf32>
    %add3A_178 = arith.addf %reshape3A_173, %get3A_177 : vector<32x8x128xf32>
    %swap3A_179 = arith.constant 32 : index
    %swap3A_180 = arith.constant 0 : index
    %swap3A_181 = arith.constant 0 : index
    %swap3A_182 = vector.load %arg11[%swap3A_179, %swap3A_180, %swap3A_181] : memref<96x17x128xf32, #tpu.memory_space<vmem>>, vector<32x8x128xf32>
    tpu.vector_store %arg11[%swap3A_179, %swap3A_180, %swap3A_181], %add3A_178 {strides = array<i32>} : memref<96x17x128xf32, #tpu.memory_space<vmem>>, vector<32x8x128xf32>,
    %slice3A_183 = vector.extract_strided_slice %add3A_109 {offsets = [800, 0], sizes = [256, 128], strides = [1, 1]} : vector<1632x128xf32> to vector<256x128xf32>
    %reshape3A_184 = vector.shape_cast %slice3A_183 : vector<256x128xf32> to vector<32x8x128xf32>
    %get3A_185 = arith.constant 32 : index
    %get3A_186 = arith.constant 8 : index
    %get3A_187 = arith.constant 0 : index
    %get3A_188 = vector.load %arg2[%get3A_185, %get3A_186, %get3A_187] : memref<96x17x128xf32, #tpu.memory_space<vmem>>, vector<32x8x128xf32>
    %add3A_189 = arith.addf %reshape3A_184, %get3A_188 : vector<32x8x128xf32>
    %swap3A_190 = arith.constant 32 : index
    %swap3A_191 = arith.constant 8 : index
    %swap3A_192 = arith.constant 0 : index
    %swap3A_193 = vector.load %arg11[%swap3A_190, %swap3A_191, %swap3A_192] : memref<96x17x128xf32, #tpu.memory_space<vmem>>, vector<32x8x128xf32>
    tpu.vector_store %arg11[%swap3A_190, %swap3A_191, %swap3A_192], %add3A_189 {strides = array<i32>} : memref<96x17x128xf32, #tpu.memory_space<vmem>>, vector<32x8x128xf32>,
    %slice3A_194 = vector.extract_strided_slice %add3A_109 {offsets = [1056, 0], sizes = [32, 128], strides = [1, 1]} : vector<1632x128xf32> to vector<32x128xf32>
    %get3A_195 = arith.constant 32 : index
    %get3A_196 = arith.constant 16 : index
    %get3A_197 = arith.constant 0 : index
    %get3A_198 = vector.load %arg2[%get3A_195, %get3A_196, %get3A_197] : memref<96x17x128xf32, #tpu.memory_space<vmem>>, vector<32x1x128xf32>
    %get3A_199 = vector.shape_cast %get3A_198 : vector<32x1x128xf32> to vector<32x128xf32>
    %add3A_200 = arith.addf %slice3A_194, %get3A_199 : vector<32x128xf32>
    %swap3A_201 = arith.constant 32 : index
    %swap3A_202 = arith.constant 16 : index
    %swap3A_203 = arith.constant 0 : index
    %swap3A_204 = vector.load %arg11[%swap3A_201, %swap3A_202, %swap3A_203] : memref<96x17x128xf32, #tpu.memory_space<vmem>>, vector<32x1x128xf32>
    %swap3A_205 = vector.shape_cast %swap3A_204 : vector<32x1x128xf32> to vector<32x128xf32>
    %swap3A_206 = vector.shape_cast %add3A_200 : vector<32x128xf32> to vector<32x1x128xf32>
    tpu.vector_store %arg11[%swap3A_201, %swap3A_202, %swap3A_203], %swap3A_206 {strides = array<i32>} : memref<96x17x128xf32, #tpu.memory_space<vmem>>, vector<32x1x128xf32>,
    %slice3A_207 = vector.extract_strided_slice %mul3A_108 {offsets = [544, 0], sizes = [256, 128], strides = [1, 1]} : vector<1632x128xf32> to vector<256x128xf32>
    %reshape3A_208 = vector.shape_cast %slice3A_207 : vector<256x128xf32> to vector<32x8x128xf32>
    %mul3A_209 = arith.constant 5.000000e-01 : f32
    %mul3A_210 = vector.broadcast %mul3A_209 : f32 to vector<32x8x128xf32>
    %mul3A_211 = arith.mulf %mul3A_210, %reshape3A_208 : vector<32x8x128xf32>
    %swap3A_212 = arith.constant 32 : index
    %swap3A_213 = arith.constant 0 : index
    %swap3A_214 = arith.constant 0 : index
    %swap3A_215 = vector.load %arg12[%swap3A_212, %swap3A_213, %swap3A_214] : memref<96x17x128xf32, #tpu.memory_space<vmem>>, vector<32x8x128xf32>
    tpu.vector_store %arg12[%swap3A_212, %swap3A_213, %swap3A_214], %mul3A_211 {strides = array<i32>} : memref<96x17x128xf32, #tpu.memory_space<vmem>>, vector<32x8x128xf32>,
    %slice3A_216 = vector.extract_strided_slice %mul3A_108 {offsets = [800, 0], sizes = [256, 128], strides = [1, 1]} : vector<1632x128xf32> to vector<256x128xf32>
    %reshape3A_217 = vector.shape_cast %slice3A_216 : vector<256x128xf32> to vector<32x8x128xf32>
    %mul3A_218 = arith.constant 5.000000e-01 : f32
    %mul3A_219 = vector.broadcast %mul3A_218 : f32 to vector<32x8x128xf32>
    %mul3A_220 = arith.mulf %mul3A_219, %reshape3A_217 : vector<32x8x128xf32>
    %swap3A_221 = arith.constant 32 : index
    %swap3A_222 = arith.constant 8 : index
    %swap3A_223 = arith.constant 0 : index
    %swap3A_224 = vector.load %arg12[%swap3A_221, %swap3A_222, %swap3A_223] : memref<96x17x128xf32, #tpu.memory_space<vmem>>, vector<32x8x128xf32>
    tpu.vector_store %arg12[%swap3A_221, %swap3A_222, %swap3A_223], %mul3A_220 {strides = array<i32>} : memref<96x17x128xf32, #tpu.memory_space<vmem>>, vector<32x8x128xf32>,
    %slice3A_225 = vector.extract_strided_slice %mul3A_108 {offsets = [1056, 0], sizes = [32, 128], strides = [1, 1]} : vector<1632x128xf32> to vector<32x128xf32>
    %mul3A_226 = arith.constant 5.000000e-01 : f32
    %mul3A_227 = vector.broadcast %mul3A_226 : f32 to vector<32x128xf32>
    %mul3A_228 = arith.mulf %mul3A_227, %slice3A_225 : vector<32x128xf32>
    %swap3A_229 = arith.constant 32 : index
    %swap3A_230 = arith.constant 16 : index
    %swap3A_231 = arith.constant 0 : index
    %swap3A_232 = vector.load %arg12[%swap3A_229, %swap3A_230, %swap3A_231] : memref<96x17x128xf32, #tpu.memory_space<vmem>>, vector<32x1x128xf32>
    %swap3A_233 = vector.shape_cast %swap3A_232 : vector<32x1x128xf32> to vector<32x128xf32>
    %swap3A_234 = vector.shape_cast %mul3A_228 : vector<32x128xf32> to vector<32x1x128xf32>
    tpu.vector_store %arg12[%swap3A_229, %swap3A_230, %swap3A_231], %swap3A_234 {strides = array<i32>} : memref<96x17x128xf32, #tpu.memory_space<vmem>>, vector<32x1x128xf32>,
    %slice3A_235 = vector.extract_strided_slice %add3A_109 {offsets = [1088, 0], sizes = [256, 128], strides = [1, 1]} : vector<1632x128xf32> to vector<256x128xf32>
    %reshape3A_236 = vector.shape_cast %slice3A_235 : vector<256x128xf32> to vector<32x8x128xf32>
    %get3A_237 = arith.constant 64 : index
    %get3A_238 = arith.constant 0 : index
    %get3A_239 = arith.constant 0 : index
    %get3A_240 = vector.load %arg2[%get3A_237, %get3A_238, %get3A_239] : memref<96x17x128xf32, #tpu.memory_space<vmem>>, vector<32x8x128xf32>
    %add3A_241 = arith.addf %reshape3A_236, %get3A_240 : vector<32x8x128xf32>
    %swap3A_242 = arith.constant 64 : index
    %swap3A_243 = arith.constant 0 : index
    %swap3A_244 = arith.constant 0 : index
    %swap3A_245 = vector.load %arg11[%swap3A_242, %swap3A_243, %swap3A_244] : memref<96x17x128xf32, #tpu.memory_space<vmem>>, vector<32x8x128xf32>
    tpu.vector_store %arg11[%swap3A_242, %swap3A_243, %swap3A_244], %add3A_241 {strides = array<i32>} : memref<96x17x128xf32, #tpu.memory_space<vmem>>, vector<32x8x128xf32>,
    %slice3A_246 = vector.extract_strided_slice %add3A_109 {offsets = [1344, 0], sizes = [256, 128], strides = [1, 1]} : vector<1632x128xf32> to vector<256x128xf32>
    %reshape3A_247 = vector.shape_cast %slice3A_246 : vector<256x128xf32> to vector<32x8x128xf32>
    %get3A_248 = arith.constant 64 : index
    %get3A_249 = arith.constant 8 : index
    %get3A_250 = arith.constant 0 : index
    %get3A_251 = vector.load %arg2[%get3A_248, %get3A_249, %get3A_250] : memref<96x17x128xf32, #tpu.memory_space<vmem>>, vector<32x8x128xf32>
    %add3A_252 = arith.addf %reshape3A_247, %get3A_251 : vector<32x8x128xf32>
    %swap3A_253 = arith.constant 64 : index
    %swap3A_254 = arith.constant 8 : index
    %swap3A_255 = arith.constant 0 : index
    %swap3A_256 = vector.load %arg11[%swap3A_253, %swap3A_254, %swap3A_255] : memref<96x17x128xf32, #tpu.memory_space<vmem>>, vector<32x8x128xf32>
    tpu.vector_store %arg11[%swap3A_253, %swap3A_254, %swap3A_255], %add3A_252 {strides = array<i32>} : memref<96x17x128xf32, #tpu.memory_space<vmem>>, vector<32x8x128xf32>,
    %slice3A_257 = vector.extract_strided_slice %add3A_109 {offsets = [1600, 0], sizes = [32, 128], strides = [1, 1]} : vector<1632x128xf32> to vector<32x128xf32>
    %get3A_258 = arith.constant 64 : index
    %get3A_259 = arith.constant 16 : index
    %get3A_260 = arith.constant 0 : index
    %get3A_261 = vector.load %arg2[%get3A_258, %get3A_259, %get3A_260] : memref<96x17x128xf32, #tpu.memory_space<vmem>>, vector<32x1x128xf32>
    %get3A_262 = vector.shape_cast %get3A_261 : vector<32x1x128xf32> to vector<32x128xf32>
    %add3A_263 = arith.addf %slice3A_257, %get3A_262 : vector<32x128xf32>
    %swap3A_264 = arith.constant 64 : index
    %swap3A_265 = arith.constant 16 : index
    %swap3A_266 = arith.constant 0 : index
    %swap3A_267 = vector.load %arg11[%swap3A_264, %swap3A_265, %swap3A_266] : memref<96x17x128xf32, #tpu.memory_space<vmem>>, vector<32x1x128xf32>
    %swap3A_268 = vector.shape_cast %swap3A_267 : vector<32x1x128xf32> to vector<32x128xf32>
    %swap3A_269 = vector.shape_cast %add3A_263 : vector<32x128xf32> to vector<32x1x128xf32>
    tpu.vector_store %arg11[%swap3A_264, %swap3A_265, %swap3A_266], %swap3A_269 {strides = array<i32>} : memref<96x17x128xf32, #tpu.memory_space<vmem>>, vector<32x1x128xf32>,
    %slice3A_270 = vector.extract_strided_slice %mul3A_108 {offsets = [1088, 0], sizes = [256, 128], strides = [1, 1]} : vector<1632x128xf32> to vector<256x128xf32>
    %reshape3A_271 = vector.shape_cast %slice3A_270 : vector<256x128xf32> to vector<32x8x128xf32>
    %mul3A_272 = arith.constant 5.000000e-01 : f32
    %mul3A_273 = vector.broadcast %mul3A_272 : f32 to vector<32x8x128xf32>
    %mul3A_274 = arith.mulf %mul3A_273, %reshape3A_271 : vector<32x8x128xf32>
    %swap3A_275 = arith.constant 64 : index
    %swap3A_276 = arith.constant 0 : index
    %swap3A_277 = arith.constant 0 : index
    %swap3A_278 = vector.load %arg12[%swap3A_275, %swap3A_276, %swap3A_277] : memref<96x17x128xf32, #tpu.memory_space<vmem>>, vector<32x8x128xf32>
    tpu.vector_store %arg12[%swap3A_275, %swap3A_276, %swap3A_277], %mul3A_274 {strides = array<i32>} : memref<96x17x128xf32, #tpu.memory_space<vmem>>, vector<32x8x128xf32>,
    %slice3A_279 = vector.extract_strided_slice %mul3A_108 {offsets = [1344, 0], sizes = [256, 128], strides = [1, 1]} : vector<1632x128xf32> to vector<256x128xf32>
    %reshape3A_280 = vector.shape_cast %slice3A_279 : vector<256x128xf32> to vector<32x8x128xf32>
    %mul3A_281 = arith.constant 5.000000e-01 : f32
    %mul3A_282 = vector.broadcast %mul3A_281 : f32 to vector<32x8x128xf32>
    %mul3A_283 = arith.mulf %mul3A_282, %reshape3A_280 : vector<32x8x128xf32>
    %swap3A_284 = arith.constant 64 : index
    %swap3A_285 = arith.constant 8 : index
    %swap3A_286 = arith.constant 0 : index
    %swap3A_287 = vector.load %arg12[%swap3A_284, %swap3A_285, %swap3A_286] : memref<96x17x128xf32, #tpu.memory_space<vmem>>, vector<32x8x128xf32>
    tpu.vector_store %arg12[%swap3A_284, %swap3A_285, %swap3A_286], %mul3A_283 {strides = array<i32>} : memref<96x17x128xf32, #tpu.memory_space<vmem>>, vector<32x8x128xf32>,
    %slice3A_288 = vector.extract_strided_slice %mul3A_108 {offsets = [1600, 0], sizes = [32, 128], strides = [1, 1]} : vector<1632x128xf32> to vector<32x128xf32>
    %mul3A_289 = arith.constant 5.000000e-01 : f32
    %mul3A_290 = vector.broadcast %mul3A_289 : f32 to vector<32x128xf32>
    %mul3A_291 = arith.mulf %mul3A_290, %slice3A_288 : vector<32x128xf32>
    %swap3A_292 = arith.constant 64 : index
    %swap3A_293 = arith.constant 16 : index
    %swap3A_294 = arith.constant 0 : index
    %swap3A_295 = vector.load %arg12[%swap3A_292, %swap3A_293, %swap3A_294] : memref<96x17x128xf32, #tpu.memory_space<vmem>>, vector<32x1x128xf32>
    %swap3A_296 = vector.shape_cast %swap3A_295 : vector<32x1x128xf32> to vector<32x128xf32>
    %swap3A_297 = vector.shape_cast %mul3A_291 : vector<32x128xf32> to vector<32x1x128xf32>
    tpu.vector_store %arg12[%swap3A_292, %swap3A_293, %swap3A_294], %swap3A_297 {strides = array<i32>} : memref<96x17x128xf32, #tpu.memory_space<vmem>>, vector<32x1x128xf32>,
    return
  }
  func.func @transform_0(%arg0: i32) -> (i32, i32, i32) {
    %c0_i32 = arith.constant 0 : i32
    %c0_i32_0 = arith.constant 0 : i32
    %c0_i32_1 = arith.constant 0 : i32
    return %arg0, %c0_i32, %c0_i32_0 : i32, i32, i32
  }
  func.func @transform_1(%arg0: i32) -> (i32, i32, i32) {
    %c0_i32 = arith.constant 0 : i32
    %c0_i32_0 = arith.constant 0 : i32
    %c0_i32_1 = arith.constant 0 : i32
    return %arg0, %c0_i32, %c0_i32_0 : i32, i32, i32
  }
  func.func @transform_2(%arg0: i32) -> (i32, i32) {
    %c0_i32 = arith.constant 0 : i32
    %c0_i32_0 = arith.constant 0 : i32
    %c0_i32_1 = arith.constant 0 : i32
    return %c0_i32, %c0_i32_0 : i32, i32
  }
  func.func @transform_3(%arg0: i32) -> (i32, i32) {
    %c0_i32 = arith.constant 0 : i32
    %c0_i32_0 = arith.constant 0 : i32
    %c0_i32_1 = arith.constant 0 : i32
    return %c0_i32, %c0_i32_0 : i32, i32
  }
  func.func @transform_4(%arg0: i32) -> (i32, i32) {
    %c0_i32 = arith.constant 0 : i32
    %c0_i32_0 = arith.constant 0 : i32
    %c0_i32_1 = arith.constant 0 : i32
    return %c0_i32, %c0_i32_0 : i32, i32
  }
  func.func @transform_5(%arg0: i32) -> (i32, i32) {
    %c0_i32 = arith.constant 0 : i32
    %c0_i32_0 = arith.constant 0 : i32
    %c0_i32_1 = arith.constant 0 : i32
    return %c0_i32, %c0_i32_0 : i32, i32
  }
  func.func @transform_6(%arg0: i32) -> (i32, i32) {
    %c0_i32 = arith.constant 0 : i32
    %c0_i32_0 = arith.constant 0 : i32
    %c0_i32_1 = arith.constant 0 : i32
    return %c0_i32, %c0_i32_0 : i32, i32
  }
  func.func @transform_7(%arg0: i32) -> (i32, i32) {
    %c0_i32 = arith.constant 0 : i32
    %c0_i32_0 = arith.constant 0 : i32
    %c0_i32_1 = arith.constant 0 : i32
    return %c0_i32, %c0_i32_0 : i32, i32
  }
  func.func @transform_8(%arg0: i32) -> (i32, i32) {
    %c0_i32 = arith.constant 0 : i32
    %c0_i32_0 = arith.constant 0 : i32
    %c0_i32_1 = arith.constant 0 : i32
    return %c0_i32, %c0_i32_0 : i32, i32
  }
  func.func @transform_9(%arg0: i32) -> (i32, i32) {
    %c0_i32 = arith.constant 0 : i32
    %c0_i32_0 = arith.constant 0 : i32
    %c0_i32_1 = arith.constant 0 : i32
    return %c0_i32, %c0_i32_0 : i32, i32
  }
  func.func @transform_10(%arg0: i32) -> (i32, i32, i32) {
    %c0_i32 = arith.constant 0 : i32
    %c0_i32_0 = arith.constant 0 : i32
    %c0_i32_1 = arith.constant 0 : i32
    return %arg0, %c0_i32, %c0_i32_0 : i32, i32, i32
  }
  func.func @transform_11(%arg0: i32) -> (i32, i32, i32) {
    %c0_i32 = arith.constant 0 : i32
    %c0_i32_0 = arith.constant 0 : i32
    %c0_i32_1 = arith.constant 0 : i32
    return %arg0, %c0_i32, %c0_i32_0 : i32, i32, i32
  }
}

</mosaic_0001>

<sc_bundles>
// kernel: gather_offload_async_start.1
scs
__scs_entry_jumppad:
0x0: {  	(pc) =	sbr.rel $0x88, $3  }
0x1: {  	(tag) =	ssettag $0x0;
	lr =	simm.s32 $0x1  }
0x2: {  	[smem:$0x3F95] =	sst lr;
	_ =	strace $0xD0000000  }
0x3: {  	_ = 	snop  }
0x4: {  	_ = 	snop  }
0x5: {  	_ = 	snop  }
0x6: {  	_ = 	snop  }
0x7: {  	_ = 	snop  }
__scs_overlays_trampoline_lowered:
0x8: {  	[smem:$0x3FA4] =	sst s0  }
0x9: {  	[smem:$0x3FA5] =	sst s1  }
0xa: {  	[smem:$0x3FA6] =	sst s2  }
0xb: {  	[smem:$0x3FA7] =	sst s3  }
0xc: {  	[smem:$0x3FA8] =	sst s4  }
0xd: {  	[smem:$0x3FA9] =	sst s5  }
0xe: {  	[smem:$0x3FAA] =	sst s6  }
0xf: {  	[smem:$0x3FAB] =	sst s7  }
0x10: {  	[smem:$0x3FAC] =	sst s8  }
0x11: {  	[smem:$0x3FAD] =	sst s9;
	s0 =	simm.s32 @!p0 $0x0  }
0x12: {  	s1 =	sld [smem:$0x3F93];
	s0 =	simm.s32 @p0 $0x1  }
0x13: {  	[smem:$0x3FAE] =	sst s0;
	s0 =	simm.s32 @!p1 $0x0  }
0x14: {  	s2 =	sld [smem:$0x3F92];
	s0 =	simm.s32 @p1 $0x1  }
0x15: {  	[smem:$0x3FAF] =	sst s0;
	s0 =	simm.s32 @!p2 $0x0  }
0x16: {  	s3 =	sld [smem:$0x3FDB];
	s0 =	simm.s32 @p2 $0x1  }
0x17: {  	s4 =	simm.s32 $0x1BF5;
	[smem:$0x3FB1] =	sst s0  }
0x18: {  	s0 =	sld [smem:$0x3F94];
	_ =	swait.ge [sflag:s4], $0x0  }
0x19: {  	s7 =	sld [smem:$0x3F95]  }
0x1a: {  	s8 =	sadd.s32 $0xFFFFE003, lr  }
0x1b: {  	s9 =	sadd.s32 $0xFFFFFEF7, lr;
	s5 =	simm.s32 $0xFFFFFFFF;
	p2 =	slt.u32 s8, $0xFFFFF086  }
0x1c: {  	p1 =	slt.u32 s9, $0xF7A;
	s5 =	simm.s32 @!p2 $0x0  }
0x1d: {  	s5 =	simm.s32 @p1 $0x1;
	p0 =	seq.s32 s7, s2  }
0x1e: {  	s7 =	smul.u32 @!p0 $0xF7A, s2;
	p2 =	seq.s32 @!p0 s5, $0x0  }
0x1f: {  	s9 =	smul.u32 $0xF7A, s1;
	s8 =	simm.s32 @!p0 $0x1BF5;
	p2 =	por !p2, p0  }
0x20: {  	[sflag:s8] =	ssyncset.s32 @!p0 $0xFFFFF086;
	s6 =	sadd.s32 @!p0 s3, s7;
	s7 =	simm.s32 @!p0 $0x108  }
0x21: {  	s3 =	sadd.s32 s3, s9;
	s6 =	sadd.s32 @!p0 $0x88, s6;
	s7 =	simm.s32 @p2 $0x1082  }
0x22: {  	[simem:s7], [sflag:s8] =	dma.local @!p0 [hbm:s6], $0xF7A  }
0x23: {  	s9 =	sor.u32 $0xD0000000, s2;
	s6 =	simm.s32 $0x108;
	_ =	swait.ge @!p0 [sflag:s8], $0x0  }
0x24: {  	s3 =	sadd.s32 $0x88, s3;
	s6 =	simm.s32 @!p1 $0x1082;
	[sflag:s4] =	ssyncset.s32 $0xFFFFF086  }
0x25: {  	[simem:s6], [sflag:s4] =	dma.local [hbm:s3], $0xF7A  }
0x26: {  	[smem:$0x3F95] =	sst s1;
	(tag) =	ssettag s2;
	_ =	strace s9  }
0x27: {  	s1 =	sld [smem:$0x3FA5]  }
0x28: {  	s2 =	sld [smem:$0x3FA6]  }
0x29: {  	s4 =	sld [smem:$0x3FA8]  }
0x2a: {  	p0 =	seq.s32 s5, $0x0;
	s5 =	sld [smem:$0x3FA9]  }
0x2b: {  	s6 =	sld [smem:$0x3FAA]  }
0x2c: {  	s7 =	sld [smem:$0x3FAB]  }
0x2d: {  	s3 =	simm.s32 $0x108;
	s8 =	sld [smem:$0x3FAC]  }
0x2e: {  	s3 =	simm.s32 @!p0 $0x1082;
	s9 =	sld [smem:$0x3FAD]  }
0x2f: {  	lr =	sadd.s32 s0, s3;
	s0 =	sld [smem:$0x3FA4]  }
0x30: {  	s3 =	sld [smem:$0x3FA7]  }
0x31: {  	[smem:$0x3FB0] =	sst s10  }
0x32: {  	s10 =	sld [smem:$0x3FAE];
	_ =	sdelay $0x3  }
0x33: {  	p0 =	seq.s32 s10, $0x1;
	s10 =	sld [smem:$0x3FB0];
	_ =	sdelay $0x3  }
0x34: {  	[smem:$0x3FB0] =	sst s10  }
0x35: {  	s10 =	sld [smem:$0x3FAF];
	_ =	sdelay $0x3  }
0x36: {  	p1 =	seq.s32 s10, $0x1;
	s10 =	sld [smem:$0x3FB0];
	_ =	sdelay $0x3  }
0x37: {  	[smem:$0x3FB0] =	sst s10  }
0x38: {  	s10 =	sld [smem:$0x3FB1]  }
0x39: {  	_ = 	snop;
	(pc) =	sbr.ind lr, $3  }
0x3a: {  	_ = 	snop  }
0x3b: {  	_ = 	snop  }
0x3c: {  	p2 =	seq.s32 s10, $0x1;
	s10 =	sld [smem:$0x3FB0]  }
0x3d: {  	_ =	shalt  }
0x3e: {  	_ =	shalt  }
0x3f: {  	_ =	shalt  }
0x40: {  	_ =	shalt  }
0x41: {  	_ =	shalt  }
0x42: {  	_ =	shalt  }
0x43: {  	_ =	shalt  }
0x44: {  	_ =	shalt  }
0x45: {  	_ =	shalt  }
0x46: {  	_ =	shalt  }
0x47: {  	_ =	shalt  }
0x48: {  	_ =	shalt  }
0x49: {  	_ =	shalt  }
0x4a: {  	_ =	shalt  }
0x4b: {  	_ =	shalt  }
0x4c: {  	_ =	shalt  }
0x4d: {  	_ =	shalt  }
0x4e: {  	_ =	shalt  }
0x4f: {  	_ =	shalt  }
0x50: {  	_ =	shalt  }
0x51: {  	_ =	shalt  }
0x52: {  	_ =	shalt  }
0x53: {  	_ =	shalt  }
0x54: {  	_ =	shalt  }
0x55: {  	_ =	shalt  }
0x56: {  	_ =	shalt  }
0x57: {  	_ =	shalt  }
0x58: {  	_ =	shalt  }
0x59: {  	_ =	shalt  }
0x5a: {  	_ =	shalt  }
0x5b: {  	_ =	shalt  }
0x5c: {  	_ =	shalt  }
0x5d: {  	_ =	shalt  }
0x5e: {  	_ =	shalt  }
0x5f: {  	_ =	shalt  }
0x60: {  	_ =	shalt  }
0x61: {  	_ =	shalt  }
0x62: {  	_ =	shalt  }
0x63: {  	_ =	shalt  }
0x64: {  	_ =	shalt  }
0x65: {  	_ =	shalt  }
0x66: {  	_ =	shalt  }
0x67: {  	_ =	shalt  }
0x68: {  	_ =	shalt  }
0x69: {  	_ =	shalt  }
0x6a: {  	_ =	shalt  }
0x6b: {  	_ =	shalt  }
0x6c: {  	_ =	shalt  }
0x6d: {  	_ =	shalt  }
0x6e: {  	_ =	shalt  }
0x6f: {  	_ =	shalt  }
0x70: {  	_ =	shalt  }
0x71: {  	_ =	shalt  }
0x72: {  	_ =	shalt  }
0x73: {  	_ =	shalt  }
0x74: {  	_ =	shalt  }
0x75: {  	_ =	shalt  }
0x76: {  	_ =	shalt  }
0x77: {  	_ =	shalt  }
0x78: {  	_ =	shalt  }
0x79: {  	_ =	shalt  }
0x7a: {  	_ =	shalt  }
0x7b: {  	_ =	shalt  }
0x7c: {  	_ =	shalt  }
0x7d: {  	_ =	shalt  }
0x7e: {  	_ =	shalt  }
0x7f: {  	_ =	shalt  }
0x80: {  	_ =	shalt  }
0x81: {  	_ =	shalt  }
0x82: {  	_ =	shalt  }
0x83: {  	_ =	shalt  }
0x84: {  	_ =	shalt  }
0x85: {  	_ =	shalt  }
0x86: {  	_ =	shalt  }
0x87: {  	_ =	shalt  }
.Lfunc_end0:
.L_simem_size_0:
called_computation.3_lowered:
.L_overlay_start_0:
0x88: {  	s2 =	sld [smem:$0x3FD9]  }
0x89: {  	s3 =	sld [smem:$0x3FFE];
	_ =	sdelay $0x1  }
0x8a: {  	s1 =	srdreg.scid  }
0x8b: {  	s0 =	sand.u32 $0x1, s1  }
0x8c: {  	s15 =	sshll.u32 s0, $0xA;
	s2 =	sadd.s32 s3, s2  }
0x8d: {  	s2 =	sadd.s32 s2, s15  }
0x8e: {  	[smem:$0x3FBC] =	sst s2  }
0x8f: {  	_ = 	snop  }
0x90: {  	s2 =	sld [smem:$0x3FD0];
	_ =	sdelay $0x2  }
0x91: {  	s16 =	simm.s32 $0xB;
	s4 =	simm.s32 $0x10  }
0x92: {  	[smem:s4], [sflag:s16] =	dma.local [hbm:s2], $0x1  }
0x93: {  	_ =	swait.eq [sflag:s16], $0x1  }
0x94: {  	[sflag:s16] =	ssyncset.done $0x0  }
0x95: {  	[sflag:s16] =	ssyncadd.s32 $0xFFFFFFFF  }
0x96: {  	s17 =	sld [smem:$0x10];
	(tm) =	ssettm $0x1  }
0x97: {  	s18 =	sld [smem:$0x3FFB];
	_ =	sdelay $0x3  }
0x98: {  	_ =	strace s18  }
0x99: {  	s2 =	sld [smem:$0x3FFC];
	_ =	sdelay $0x3  }
0x9a: {  	_ =	strace s2  }
0x9b: {  	s2 =	sld [smem:$0x3FFD];
	_ =	sdelay $0x3  }
0x9c: {  	_ =	strace s2  }
0x9d: {  	_ =	strace $0x8FFFFFFF  }
0x9e: {  	s19 =	sld [smem:$0x3FDB];
	_ =	sdelay $0x1  }
0x9f: {  	s20 =	simm.s32 $_scs_section_size  }
0xa0: {  	s5 =	simm.s32 $_size__tile_overlayer_lowered;
	s6 =	simm.s32 $_tile_overlayer_lowered  }
0xa1: {  	s7 =	simm.s32 $0x1BFF;
	s21 =	sshll.u32 s6, $0x1;
	s4 =	sadd.s32 s20, s19  }
0xa2: {  	s22 =	simm.s32 $0x0;
	s5 =	sshll.u32 s5, $0x1;
	s6 =	sadd.s32 s21, s4  }
0xa3: {  	[timem:s22], [sflag:s7] =	dma.local [hbm:s6], s5  }
0xa4: {  	_ =	swait.ge [sflag:s7], s5  }
0xa5: {  	s5 =	ssub.s32 $0x0, s5;
	[sflag:s7] =	ssyncset.done $0x0  }
0xa6: {  	[sflag:s7] =	ssyncadd.s32 s5;
	_ =	sdelay $0x1  }
0xa7: {  	s23 =	simm.s32 $0x1B8B  }
0xa8: {  	_ =	swait.ge [sflag:s23], $0x1  }
0xa9: {  	[sflag:s23] =	ssyncset.done $0x0  }
0xaa: {  	[sflag:s23] =	ssyncadd.s32 $0xFFFFFFFF  }
0xab: {  	s5 =	sld [smem:$0x0]  }
0xac: {  	s6 =	sand.u32 $0xFFFFFFFE, s1  }
0xad: {  	p0 =	sne.s32 s1, s6  }
0xae: {  	s6 =	sshll.u32 @p0 s6, $0xE  }
0xaf: {  	s6 =	sadd.s32 @p0 $0x11B8D, s6;
	s7 =	sshll.u32 @p0 s5, $0x11  }
0xb0: {  	s6 =	sor.u32 @p0 s7, s6  }
0xb1: {  	[sflag:s6] =	ssyncadd.remote.s32 @p0 $0x1;
	_ =	sdelay $0x1  }
0xb2: {  	s6 =	simm.s32 @p0 $0x1B8D  }
0xb3: {  	_ =	swait.eq @p0 [sflag:s6], $0x1  }
0xb4: {  	[sflag:s6] =	ssyncadd.s32 @p0 $0xFFFFFFFF  }
0xb5: {  	s7 =	sshll.u32 @!p0 s1, $0xE  }
0xb6: {  	s7 =	sor.u32 @!p0 $0x4000, s7;
	s6 =	simm.s32 @!p0 $0x1B8D  }
0xb7: {  	s5 =	sshll.u32 @!p0 s5, $0x11;
	s7 =	sadd.s32 @!p0 $0x11B8D, s7;
	_ =	swait.eq @!p0 [sflag:s6], $0x1  }
0xb8: {  	s5 =	sor.u32 @!p0 s5, s7;
	[sflag:s6] =	ssyncadd.s32 @!p0 $0xFFFFFFFF  }
0xb9: {  	s25 =	simm.s32 $0x1B8E;
	s24 =	sld [smem:$0x3FFE];
	[sflag:s5] =	ssyncadd.remote.s32 @!p0 $0x1  }
0xba: {  	s26 =	simm.s32 $execute0_lowered;
	[smem:$0x3FD2] =	sst s25  }
0xbb: {  	s6 =	sshll.u32 s26, $0x1;
	_ =	strace $0x80000049;
	[dreg:$0x1] =	wrdreg $0xFFFFFFFF  }
0xbc: {  	s28 =	simm.s32 $_size_execute0_lowered;
	s4 =	sadd.s32 s4, s6;
	[dreg:$0x0] =	wrdreg $0x0  }
0xbd: {  	s6 =	sshll.u32 s28, $0x1;
	[dreg:$0x2] =	wrdreg s4  }
0xbe: {  	[dreg:$0x3] =	wrdreg s6  }
0xbf: {  	[dreg:$0x4] =	wrdreg $0xC0  }
0xc0: {  	_ =	task [dreg:s22], $0x5FFFF  }
0xc1: {  	[dreg:$0x1] =	wrdreg $0xFFFFFFFF  }
0xc2: {  	[dreg:$0x0] =	wrdreg $0x60  }
0xc3: {  	[dreg:$0x2] =	wrdreg s17  }
0xc4: {  	[dreg:$0x3] =	wrdreg s24  }
0xc5: {  	[dreg:$0x4] =	wrdreg $0xA  }
0xc6: {  	_ =	task.clear_ibuf [dreg:s22], $0x5FFFF;
	_ =	strace $0x90000049  }
0xc7: {  	s29 =	simm.s32 $0xA;
	_ =	strace $0x8000004B  }
0xc8: {  	_ =	swait.ge [sflag:s29], $0x1  }
0xc9: {  	[sflag:s29] =	ssyncadd.s32 $0xFFFFFFFF  }
0xca: {  	_ =	strace $0x9000004B  }
0xcb: {  	_ =	sfence  }
0xcc: {  	s30 =	sld [smem:$0x0];
	_ =	sdelay $0x2  }
0xcd: {  	s31 =	sshll.u32 s1, $0xD;
	s1 =	sshrl.u32 s1, $0x2  }
0xce: {  	s4 =	sand.u32 $0x4000, s31;
	s1 =	sadd.s32 s1, s30  }
0xcf: {  	s0 =	sor.u32 s4, s0;
	s1 =	sshll.u32 s1, $0x11  }
0xd0: {  	s0 =	sor.u32 s1, s0  }
0xd1: {  	s0 =	sadd.s32 $0x8F2B, s0  }
0xd2: {  	[sflag:s0] =	ssyncadd.remote.s32 $0x1  }
0xd3: {  	_ =	sfence.sel $0xFFFF  }
0xd4: {  	[dreg:$0x0] =	wrdreg $0xFFFFFFFF;
	(pc) =	sbr.abs _section_cstart, $3  }
0xd5: {  	[dreg:$0x1] =	wrdreg $0xFFFFFFFF  }
0xd6: {  	_ =	task.clear_ibuf [dreg:s22], $0x2FFFF;
	_ =	strace $0x9FFFFFFF  }
0xd7: {  	(tm) =	ssettm $0x7FFFFFFF  }
tec
execute0_lowered:
.L_overlay_start_1:
0x0: {  	(tag) =	ssettag $0x1  }
0x1: {  	s0 =	srdreg.scid  }
0x2: {  	s1 =	sshll.u32 s0, $0x4  }
0x3: {  	s0 =	stileid.u32;
	s1 =	sand.u32 $0x10, s1  }
0x4: {  	s2 =	sor.u32 s0, s1  }
0x5: {  	s1 =	smin.u32 s2, $0x2  }
0x6: {  	s1 =	sadd.s32 s2, s1  }
0x7: {  	p0 =	slt.u32 s2, $0x2;
	s2 =	simm.s32 $0x60;
	s1 =	smul.u32 $0x30, s1  }
0x8: {  	s2 =	simm.s32 @!p0 $0x30  }
0x9: {  	s2 =	sadd.s32 s2, s1  }
0xa: {  	s3 =	smin.u32 s2, $0x660  }
0xb: {  	s7 =	ssub.s32 s3, s1  }
0xc: {  	p0 =	sgt.s32 s7, $0x0  }
0xd: {  	s7 =	simm.s32 @!p0 $0x0  }
0xe: {  	s4 =	rddreg [dreg:$0x0];
	s31 =	smul.u32 $0xAAAB, s7  }
0xf: {  	s9 =	rddreg [dreg:$0x1];
	s6 =	simm.s32 $0x1  }
0x10: {  	s11 =	simm.s32 $0x3;
	s13 =	simm.s32 $0x0;
	s8 =	sshrl.u32 s31, $0x15  }
0x11: {  	s12 =	simm.s32 $0x0;
	s5 =	sadd.s32 $0x1400, s9;
	s10 =	smul.u32 $0x30, s8  }
.Ltmp0:
0x12: {  	s9 =	sadd.s32 $0x7C00, s9;
	s2 =	rddreg [dreg:$0x2];
	(pc) =	sbr.rel .LBB2_1-.Ltmp0, $4  }
0x13: {  	_ =	strace $0x8000004A;
	p0 =	sne.s32 s7, s10;
	s10 =	simm.s32 $0x1  }
0x14: {  	[sflag:s6] =	ssyncpa.u1 $0x0;
	s7 =	simm.s32 $0x2;
	s10 =	simm.s32 @!p0 $0x0  }
0x15: {  	[sflag:s7] =	ssyncpa.u1 $0x0;
	p0 =	por $0x0, $0x0;
	s8 =	sadd.s32 s8, s10  }
0x16: {  	vm0 =	vmmov $0xff;
	vm1 =	vcmask $0x3F20;
	[sflag:s11] =	ssyncpa.u1 $0x0;
	s11 =	smov.u32 s1;
	s10 =	sadd.s32 $0x1, s8  }
.LBB2_6:
0x17: {  	[hbm:s17] =	stream.linear.scatter [tilespmem:s14], [sflag:$0x3], $0x400, $0x38;
	[tilespmem:$0x3060] =	vst v63  }
.LBB2_7:
0x18: {  	s13 =	sadd.s32 $0x30, s11  }
0x19: {  	s15 =	smov.u32 s1;
	p2 =	slt.s32 s13, s3  }
0x1a: {  	s15 =	smov.u32 @p2 s13;
	p2 =	sne.s32 s12, s10  }
.Ltmp1:
0x1b: {  	p1 =	slt.u32 s12, $0x2;
	(pc) =	sbr.rel @!p2 .LBB2_8-.Ltmp1, $4  }
0x1c: {  	s14 =	simm.s32 @!p1 $0x3  }
0x1d: {  	s16 =	sadd.s32 $0x1, s12;
	_ =	swait.ge @!p1 [sflag:s14], $0x1800  }
0x1e: {  	p0 =	por !p0, !p0;
	s13 =	smov.u32 s11;
	[sflag:s14] =	ssyncset.done @!p1 $0x0  }
0x1f: {  	s12 =	smov.u32 s16;
	s11 =	smov.u32 s15;
	[sflag:s14] =	ssyncadd.s32 @!p1 $0xFFFFE800  }
.LBB2_1:
0x20: {  	p1 =	sge.u32 s12, s8  }
0x21: {  	s14 =	sxor.u32 @!p1 $0xFFFFFFFF, s12  }
0x22: {  	s14 =	sand.u32 @!p1 $0x1, s14  }
0x23: {  	s14 =	smul.u32 @!p1 $0xC0, s14  }
0x24: {  	s31 =	sadd.s32 $0xFFFFFFFF, s12;
	s15 =	sshrl.u32 @!p1 s11, $0x3  }
0x25: {  	s16 =	sand.u32 @!p1 $0x7, s11;
	s15 =	sadd.s32 @!p1 s5, s15;
	s14 =	sshrl.u32 @!p1 s14, $0x2  }
0x26: {  	[tilespmem:s14], [sflag:$0x2] =	stream.linear.gather @!p1 [hbm4b:s15+s16], $0x30, $0x38;
	[tilespmem:$0x3060] =	vst v63  }
0x27: {  	p1 =	sge.u32 s31, s8  }
.Ltmp2:
0x28: {  	_ = 	snop;
	(pc) =	sbr.rel @p1 .LBB2_7-.Ltmp2, $1  }
0x29: {  	_ =	sdelay $0x3  }
0x2a: {  	s14 =	simm.s32 $0x1  }
0x2b: {  	s14 =	simm.s32 @!p0 $0x0  }
0x2c: {  	s15 =	smul.u32 $0xC0, s14  }
0x2d: {  	_ =	swait.ge [sflag:s7], $0x30  }
0x2e: {  	[sflag:s7] =	ssyncset.done $0x0;
	s15 =	sshrl.u32 s15, $0x2  }
0x2f: {  	[sflag:s7] =	ssyncadd.s32 $0xFFFFFFD0;
	s16 =	sadd.s32 $0x0, s15  }
0x30: {  	v0 =	vld.msk [tilespmem:s16+$0x0 ss:$0x1], $0xffff;
	_ =	sdelay $0x4  }
0x31: {  	vm2 =	vgt.s32 v0, $0x0  }
0x32: {  	v0 =	vnsel vm2, $0x0, v0  }
0x33: {  	v0 =	vmin.u32 v0, $0x65F  }
0x34: {  	s14 =	smul.u32 $0x6000, s14;
	v0 =	vshll.u32 v0, $0x4;
	_ =	sdelay $0x1  }
0x35: {  	s14 =	sshrl.u32 s14, $0x2  }
0x36: {  	s14 =	sor.u32 $0x60, s14  }
0x37: {  	s16 =	simm.s32 $0x40;
	s18 =	sadd.s32 $0x400, s14;
	s17 =	sadd.s32 $0x800, s14  }
0x38: {  	[tilespmem:s14], [sflag:$0x1] =	stream.indirect_vreg.gather [hbm:s4], $0x80, v0, vm0, $0x38;
	[tilespmem:$0x3060] =	vst v63  }
.LBB2_3:
0x39: {  	[tilespmem:s18], [sflag:$0x1] =	stream.indirect_vreg.gather [hbm:s4], $0x80, v0, vm1, $0x38;
	[tilespmem:$0x3060] =	vst v63  }
0x3a: {  	s18 =	sshra.s32 s16, $0x2;
	p1 =	sne.s32 s16, $0x80;
	s16 =	sadd.s32 $0x40, s16  }
0x3b: {  	s18 =	sadd.s32 s18, s15  }
0x3c: {  	v0 =	vld.msk [tilespmem:s18+$0x0 ss:$0x1], $0xffff;
	_ =	sdelay $0x5  }
0x3d: {  	vm2 =	vgt.s32 v0, $0x0  }
0x3e: {  	v0 =	vnsel vm2, $0x0, v0  }
0x3f: {  	v0 =	vmin.u32 v0, $0x65F  }
0x40: {  	v0 =	vshll.u32 v0, $0x4;
	_ =	sdelay $0x1  }
.Ltmp3:
0x41: {  	(pc) =	sbr.rel @p1 .LBB2_3-.Ltmp3, $3  }
0x42: {  	_ =	sdelay $0x1  }
0x43: {  	[tilespmem:s17], [sflag:$0x1] =	stream.indirect_vreg.gather [hbm:s4], $0x80, v0, vm0, $0x38;
	[tilespmem:$0x3060] =	vst v63  }
0x44: {  	s18 =	sadd.s32 $0x400, s17;
	s17 =	sadd.s32 $0x800, s17  }
0x45: {  	_ =	sdelay $0x3  }
0x46: {  	[tilespmem:s18], [sflag:$0x1] =	stream.indirect_vreg.gather [hbm:s4], $0x80, v0, vm1, $0x38;
	[tilespmem:$0x3060] =	vst v63  }
0x47: {  	s13 =	sshll.u32 s13, $0x4;
	_ =	swait.ge [sflag:s6], $0x1800  }
0x48: {  	s15 =	simm.s32 $0x80;
	s13 =	sadd.s32 s13, s9;
	[sflag:s6] =	ssyncset.done $0x0  }
0x49: {  	s16 =	sadd.s32 $0x400, s14;
	s17 =	sadd.s32 $0x0, s13;
	[sflag:s6] =	ssyncadd.s32 $0xFFFFE800  }
.LBB2_5:
0x4a: {  	[hbm:s17] =	stream.linear.scatter [tilespmem:s14], [sflag:$0x3], $0x400, $0x38;
	[tilespmem:$0x3060] =	vst v63  }
0x4b: {  	s17 =	smov.u32 s15;
	s14 =	smov.u32 s16;
	p1 =	sne.s32 s15, $0x280  }
.Ltmp4:
0x4c: {  	s15 =	sadd.s32 $0x80, s15;
	(pc) =	sbr.rel @p1 .LBB2_5-.Ltmp4, $2  }
0x4d: {  	_ =	sdelay $0x2  }
0x4e: {  	s16 =	sadd.s32 $0x400, s16;
	s17 =	sadd.s32 s17, s13  }
.Ltmp5:
0x4f: {  	_ = 	snop;
	(pc) =	sbr.rel .LBB2_6-.Ltmp5, $1  }
0x50: {  	_ =	sdelay $0x3  }
.LBB2_8:
0x51: {  	_ =	sfence.sel $0x180000  }
0x52: {  	s1 =	simm.s32 $0x2;
	[bflag:$0x0] =	sbarrier.arrive $0xFFFF  }
0x53: {  	s30 =	simm.s32 $0x3;
	[sflag:s1] =	ssyncpa.u1 $0x1  }
0x54: {  	s31 =	simm.s32 $0x1;
	[sflag:s30] =	ssyncpa.u1 $0x1  }
0x55: {  	[sflag:s31] =	ssyncpa.u1 $0x1  }
0x56: {  	p0 =	sne.s32 s0, $0x0;
	_ =	strace $0x9000004A  }
0x57: {  	s0 =	sadd.s32 @!p0 $0x100000, s2;
	[bflag:$0x2] =	sbarrier.arrive $0xFFFF  }
0x58: {  	[sflag:s0] =	ssyncadd.tile.s32 @!p0 $0x1;
	_ =	shalt  }
.Lfunc_end2:
_tile_overlayer_lowered:
.L_overlay_start_2:
0x59: {  	(tag) =	ssettag $0x2  }
0x5a: {  	s0 =	rddreg [dreg:$0x0];
	s2 =	stileid.u32  }
0x5b: {  	s1 =	rddreg [dreg:$0x1];
	p0 =	sne.s32 s2, $0x0  }
0x5c: {  	s3 =	rddreg [dreg:$0x2];
	[bflag:$0x3] =	sbarrier.arrive $0xFFFF;
	s2 =	simm.s32 @!p0 $0x1C01  }
0x5d: {  	[timem:s3], [sflag:s2] =	dma.local @!p0 [hbm:s0], s1  }
0x5e: {  	s0 =	simm.s32 @!p0 $0x1  }
0x5f: {  	_ =	swait.ge @!p0 [sflag:s0], s1  }
0x60: {  	s1 =	ssub.s32 @!p0 $0x0, s1;
	[sflag:s0] =	ssyncset.done @!p0 $0x0  }
0x61: {  	[sflag:s0] =	ssyncadd.s32 @!p0 s1  }
0x62: {  	[bflag:$0x3] =	sbarrier.arrive $0xFFFF  }
0x63: {  	_ =	shalt  }

// kernel: gather_offload_async_start
scs
__scs_entry_jumppad:
0x0: {  	(pc) =	sbr.rel $0x88, $3  }
0x1: {  	(tag) =	ssettag $0x0;
	lr =	simm.s32 $0x1  }
0x2: {  	[smem:$0x3F95] =	sst lr;
	_ =	strace $0xD0000000  }
0x3: {  	_ = 	snop  }
0x4: {  	_ = 	snop  }
0x5: {  	_ = 	snop  }
0x6: {  	_ = 	snop  }
0x7: {  	_ = 	snop  }
__scs_overlays_trampoline_lowered:
0x8: {  	[smem:$0x3FA4] =	sst s0  }
0x9: {  	[smem:$0x3FA5] =	sst s1  }
0xa: {  	[smem:$0x3FA6] =	sst s2  }
0xb: {  	[smem:$0x3FA7] =	sst s3  }
0xc: {  	[smem:$0x3FA8] =	sst s4  }
0xd: {  	[smem:$0x3FA9] =	sst s5  }
0xe: {  	[smem:$0x3FAA] =	sst s6  }
0xf: {  	[smem:$0x3FAB] =	sst s7  }
0x10: {  	[smem:$0x3FAC] =	sst s8  }
0x11: {  	[smem:$0x3FAD] =	sst s9;
	s0 =	simm.s32 @!p0 $0x0  }
0x12: {  	s1 =	sld [smem:$0x3F93];
	s0 =	simm.s32 @p0 $0x1  }
0x13: {  	[smem:$0x3FAE] =	sst s0;
	s0 =	simm.s32 @!p1 $0x0  }
0x14: {  	s2 =	sld [smem:$0x3F92];
	s0 =	simm.s32 @p1 $0x1  }
0x15: {  	[smem:$0x3FAF] =	sst s0;
	s0 =	simm.s32 @!p2 $0x0  }
0x16: {  	s3 =	sld [smem:$0x3FDB];
	s0 =	simm.s32 @p2 $0x1  }
0x17: {  	s4 =	simm.s32 $0x1BF5;
	[smem:$0x3FB1] =	sst s0  }
0x18: {  	s0 =	sld [smem:$0x3F94];
	_ =	swait.ge [sflag:s4], $0x0  }
0x19: {  	s7 =	sld [smem:$0x3F95]  }
0x1a: {  	s8 =	sadd.s32 $0xFFFFE003, lr  }
0x1b: {  	s9 =	sadd.s32 $0xFFFFFEF7, lr;
	s5 =	simm.s32 $0xFFFFFFFF;
	p2 =	slt.u32 s8, $0xFFFFF086  }
0x1c: {  	p1 =	slt.u32 s9, $0xF7A;
	s5 =	simm.s32 @!p2 $0x0  }
0x1d: {  	s5 =	simm.s32 @p1 $0x1;
	p0 =	seq.s32 s7, s2  }
0x1e: {  	s7 =	smul.u32 @!p0 $0xF7A, s2;
	p2 =	seq.s32 @!p0 s5, $0x0  }
0x1f: {  	s9 =	smul.u32 $0xF7A, s1;
	s8 =	simm.s32 @!p0 $0x1BF5;
	p2 =	por !p2, p0  }
0x20: {  	[sflag:s8] =	ssyncset.s32 @!p0 $0xFFFFF086;
	s6 =	sadd.s32 @!p0 s3, s7;
	s7 =	simm.s32 @!p0 $0x108  }
0x21: {  	s3 =	sadd.s32 s3, s9;
	s6 =	sadd.s32 @!p0 $0x88, s6;
	s7 =	simm.s32 @p2 $0x1082  }
0x22: {  	[simem:s7], [sflag:s8] =	dma.local @!p0 [hbm:s6], $0xF7A  }
0x23: {  	s9 =	sor.u32 $0xD0000000, s2;
	s6 =	simm.s32 $0x108;
	_ =	swait.ge @!p0 [sflag:s8], $0x0  }
0x24: {  	s3 =	sadd.s32 $0x88, s3;
	s6 =	simm.s32 @!p1 $0x1082;
	[sflag:s4] =	ssyncset.s32 $0xFFFFF086  }
0x25: {  	[simem:s6], [sflag:s4] =	dma.local [hbm:s3], $0xF7A  }
0x26: {  	[smem:$0x3F95] =	sst s1;
	(tag) =	ssettag s2;
	_ =	strace s9  }
0x27: {  	s1 =	sld [smem:$0x3FA5]  }
0x28: {  	s2 =	sld [smem:$0x3FA6]  }
0x29: {  	s4 =	sld [smem:$0x3FA8]  }
0x2a: {  	p0 =	seq.s32 s5, $0x0;
	s5 =	sld [smem:$0x3FA9]  }
0x2b: {  	s6 =	sld [smem:$0x3FAA]  }
0x2c: {  	s7 =	sld [smem:$0x3FAB]  }
0x2d: {  	s3 =	simm.s32 $0x108;
	s8 =	sld [smem:$0x3FAC]  }
0x2e: {  	s3 =	simm.s32 @!p0 $0x1082;
	s9 =	sld [smem:$0x3FAD]  }
0x2f: {  	lr =	sadd.s32 s0, s3;
	s0 =	sld [smem:$0x3FA4]  }
0x30: {  	s3 =	sld [smem:$0x3FA7]  }
0x31: {  	[smem:$0x3FB0] =	sst s10  }
0x32: {  	s10 =	sld [smem:$0x3FAE];
	_ =	sdelay $0x3  }
0x33: {  	p0 =	seq.s32 s10, $0x1;
	s10 =	sld [smem:$0x3FB0];
	_ =	sdelay $0x3  }
0x34: {  	[smem:$0x3FB0] =	sst s10  }
0x35: {  	s10 =	sld [smem:$0x3FAF];
	_ =	sdelay $0x3  }
0x36: {  	p1 =	seq.s32 s10, $0x1;
	s10 =	sld [smem:$0x3FB0];
	_ =	sdelay $0x3  }
0x37: {  	[smem:$0x3FB0] =	sst s10  }
0x38: {  	s10 =	sld [smem:$0x3FB1]  }
0x39: {  	_ = 	snop;
	(pc) =	sbr.ind lr, $3  }
0x3a: {  	_ = 	snop  }
0x3b: {  	_ = 	snop  }
0x3c: {  	p2 =	seq.s32 s10, $0x1;
	s10 =	sld [smem:$0x3FB0]  }
0x3d: {  	_ =	shalt  }
0x3e: {  	_ =	shalt  }
0x3f: {  	_ =	shalt  }
0x40: {  	_ =	shalt  }
0x41: {  	_ =	shalt  }
0x42: {  	_ =	shalt  }
0x43: {  	_ =	shalt  }
0x44: {  	_ =	shalt  }
0x45: {  	_ =	shalt  }
0x46: {  	_ =	shalt  }
0x47: {  	_ =	shalt  }
0x48: {  	_ =	shalt  }
0x49: {  	_ =	shalt  }
0x4a: {  	_ =	shalt  }
0x4b: {  	_ =	shalt  }
0x4c: {  	_ =	shalt  }
0x4d: {  	_ =	shalt  }
0x4e: {  	_ =	shalt  }
0x4f: {  	_ =	shalt  }
0x50: {  	_ =	shalt  }
0x51: {  	_ =	shalt  }
0x52: {  	_ =	shalt  }
0x53: {  	_ =	shalt  }
0x54: {  	_ =	shalt  }
0x55: {  	_ =	shalt  }
0x56: {  	_ =	shalt  }
0x57: {  	_ =	shalt  }
0x58: {  	_ =	shalt  }
0x59: {  	_ =	shalt  }
0x5a: {  	_ =	shalt  }
0x5b: {  	_ =	shalt  }
0x5c: {  	_ =	shalt  }
0x5d: {  	_ =	shalt  }
0x5e: {  	_ =	shalt  }
0x5f: {  	_ =	shalt  }
0x60: {  	_ =	shalt  }
0x61: {  	_ =	shalt  }
0x62: {  	_ =	shalt  }
0x63: {  	_ =	shalt  }
0x64: {  	_ =	shalt  }
0x65: {  	_ =	shalt  }
0x66: {  	_ =	shalt  }
0x67: {  	_ =	shalt  }
0x68: {  	_ =	shalt  }
0x69: {  	_ =	shalt  }
0x6a: {  	_ =	shalt  }
0x6b: {  	_ =	shalt  }
0x6c: {  	_ =	shalt  }
0x6d: {  	_ =	shalt  }
0x6e: {  	_ =	shalt  }
0x6f: {  	_ =	shalt  }
0x70: {  	_ =	shalt  }
0x71: {  	_ =	shalt  }
0x72: {  	_ =	shalt  }
0x73: {  	_ =	shalt  }
0x74: {  	_ =	shalt  }
0x75: {  	_ =	shalt  }
0x76: {  	_ =	shalt  }
0x77: {  	_ =	shalt  }
0x78: {  	_ =	shalt  }
0x79: {  	_ =	shalt  }
0x7a: {  	_ =	shalt  }
0x7b: {  	_ =	shalt  }
0x7c: {  	_ =	shalt  }
0x7d: {  	_ =	shalt  }
0x7e: {  	_ =	shalt  }
0x7f: {  	_ =	shalt  }
0x80: {  	_ =	shalt  }
0x81: {  	_ =	shalt  }
0x82: {  	_ =	shalt  }
0x83: {  	_ =	shalt  }
0x84: {  	_ =	shalt  }
0x85: {  	_ =	shalt  }
0x86: {  	_ =	shalt  }
0x87: {  	_ =	shalt  }
.Lfunc_end0:
.L_simem_size_0:
called_computation.2_lowered:
.L_overlay_start_0:
0x88: {  	s2 =	sld [smem:$0x3FD9]  }
0x89: {  	s3 =	sld [smem:$0x3FFE];
	_ =	sdelay $0x1  }
0x8a: {  	s1 =	srdreg.scid  }
0x8b: {  	s0 =	sand.u32 $0x1, s1  }
0x8c: {  	s14 =	sshll.u32 s0, $0xA;
	s2 =	sadd.s32 s3, s2  }
0x8d: {  	s2 =	sadd.s32 s2, s14  }
0x8e: {  	[smem:$0x3FBC] =	sst s2  }
0x8f: {  	_ = 	snop  }
0x90: {  	s2 =	sld [smem:$0x3FD0];
	_ =	sdelay $0x2  }
0x91: {  	s15 =	simm.s32 $0xB;
	s4 =	simm.s32 $0x10  }
0x92: {  	[smem:s4], [sflag:s15] =	dma.local [hbm:s2], $0x1  }
0x93: {  	_ =	swait.eq [sflag:s15], $0x1  }
0x94: {  	[sflag:s15] =	ssyncset.done $0x0  }
0x95: {  	[sflag:s15] =	ssyncadd.s32 $0xFFFFFFFF  }
0x96: {  	s16 =	sld [smem:$0x11];
	(tm) =	ssettm $0x1  }
0x97: {  	s17 =	sld [smem:$0x3FFB];
	_ =	sdelay $0x3  }
0x98: {  	_ =	strace s17  }
0x99: {  	s3 =	sld [smem:$0x3FFC];
	_ =	sdelay $0x3  }
0x9a: {  	_ =	strace s3  }
0x9b: {  	s3 =	sld [smem:$0x3FFD];
	_ =	sdelay $0x3  }
0x9c: {  	_ =	strace s3  }
0x9d: {  	_ =	strace $0x8FFFFFFF  }
0x9e: {  	s18 =	sld [smem:$0x3FDB];
	_ =	sdelay $0x1  }
0x9f: {  	s19 =	simm.s32 $_scs_section_size  }
0xa0: {  	s5 =	simm.s32 $_size__tile_overlayer_lowered;
	s6 =	simm.s32 $_tile_overlayer_lowered  }
0xa1: {  	s22 =	simm.s32 $0x1BFF;
	s21 =	sshll.u32 s6, $0x1;
	s3 =	sadd.s32 s19, s18  }
0xa2: {  	s7 =	simm.s32 $0x0;
	s20 =	sshll.u32 s5, $0x1;
	s5 =	sadd.s32 s21, s3  }
0xa3: {  	[timem:s7], [sflag:s22] =	dma.local [hbm:s5], s20  }
0xa4: {  	_ =	swait.ge [sflag:s22], s20  }
0xa5: {  	s4 =	ssub.s32 $0x0, s20;
	[sflag:s22] =	ssyncset.done $0x0  }
0xa6: {  	[sflag:s22] =	ssyncadd.s32 s4;
	_ =	sdelay $0x1  }
0xa7: {  	s23 =	simm.s32 $0x1B8B  }
0xa8: {  	_ =	swait.ge [sflag:s23], $0x1  }
0xa9: {  	[sflag:s23] =	ssyncset.done $0x0  }
0xaa: {  	s25 =	simm.s32 $0x1B8E;
	s24 =	sld [smem:$0x3FFE];
	[sflag:s23] =	ssyncadd.s32 $0xFFFFFFFF  }
0xab: {  	s26 =	simm.s32 $execute0_lowered;
	[smem:$0x3FD2] =	sst s25  }
0xac: {  	s5 =	sshll.u32 s26, $0x1;
	_ =	strace $0x80000046;
	[dreg:$0x1] =	wrdreg $0xFFFFFFFF  }
0xad: {  	s28 =	simm.s32 $_size_execute0_lowered;
	s3 =	sadd.s32 s3, s5;
	[dreg:$0x0] =	wrdreg $0x0  }
0xae: {  	s5 =	sshll.u32 s28, $0x1;
	[dreg:$0x2] =	wrdreg s3  }
0xaf: {  	[dreg:$0x3] =	wrdreg s5  }
0xb0: {  	[dreg:$0x4] =	wrdreg $0xC0  }
0xb1: {  	_ =	task [dreg:s7], $0x5FFFF  }
0xb2: {  	[dreg:$0x1] =	wrdreg $0xFFFFFFFF  }
0xb3: {  	[dreg:$0x0] =	wrdreg $0x60  }
0xb4: {  	[dreg:$0x2] =	wrdreg s16  }
0xb5: {  	[dreg:$0x3] =	wrdreg s24  }
0xb6: {  	[dreg:$0x4] =	wrdreg $0x9  }
0xb7: {  	_ =	task.clear_ibuf [dreg:s7], $0x5FFFF;
	_ =	strace $0x90000046  }
0xb8: {  	s29 =	simm.s32 $0x9;
	_ =	strace $0x80000048  }
0xb9: {  	_ =	swait.ge [sflag:s29], $0x1  }
0xba: {  	[sflag:s29] =	ssyncadd.s32 $0xFFFFFFFF  }
0xbb: {  	_ =	strace $0x90000048  }
0xbc: {  	_ =	sfence  }
0xbd: {  	s30 =	sld [smem:$0x0];
	_ =	sdelay $0x2  }
0xbe: {  	s31 =	sshll.u32 s1, $0xD;
	s1 =	sshrl.u32 s1, $0x2  }
0xbf: {  	s3 =	sand.u32 $0x4000, s31;
	s1 =	sadd.s32 s1, s30  }
0xc0: {  	s0 =	sor.u32 s3, s0;
	s1 =	sshll.u32 s1, $0x11  }
0xc1: {  	s0 =	sor.u32 s1, s0  }
0xc2: {  	s0 =	sadd.s32 $0x8F2B, s0  }
0xc3: {  	[sflag:s0] =	ssyncadd.remote.s32 $0x1  }
0xc4: {  	_ =	sfence.sel $0xFFFF  }
0xc5: {  	[dreg:$0x0] =	wrdreg $0xFFFFFFFF;
	(pc) =	sbr.abs _section_cstart, $3  }
0xc6: {  	[dreg:$0x1] =	wrdreg $0xFFFFFFFF  }
0xc7: {  	_ =	task.clear_ibuf [dreg:s7], $0x2FFFF;
	_ =	strace $0x9FFFFFFF  }
0xc8: {  	(tm) =	ssettm $0x7FFFFFFF  }
0xc9: {  	_ =	shalt  }
tec
execute0_lowered:
.L_overlay_start_1:
0x0: {  	(tag) =	ssettag $0x1  }
0x1: {  	s0 =	srdreg.scid  }
0x2: {  	s1 =	sshll.u32 s0, $0x4  }
0x3: {  	s0 =	stileid.u32;
	s1 =	sand.u32 $0x10, s1  }
0x4: {  	s2 =	sor.u32 s0, s1  }
0x5: {  	s1 =	smin.u32 s2, $0x2  }
0x6: {  	s1 =	sadd.s32 s2, s1  }
0x7: {  	p0 =	slt.u32 s2, $0x2;
	s2 =	simm.s32 $0x60;
	s1 =	smul.u32 $0x30, s1  }
0x8: {  	s2 =	simm.s32 @!p0 $0x30  }
0x9: {  	s2 =	sadd.s32 s2, s1  }
0xa: {  	s3 =	smin.u32 s2, $0x660  }
0xb: {  	s7 =	ssub.s32 s3, s1  }
0xc: {  	p0 =	sgt.s32 s7, $0x0  }
0xd: {  	s7 =	simm.s32 @!p0 $0x0  }
0xe: {  	s4 =	rddreg [dreg:$0x0];
	s31 =	smul.u32 $0xAAAB, s7  }
0xf: {  	s9 =	rddreg [dreg:$0x1];
	s6 =	simm.s32 $0x1  }
0x10: {  	s11 =	simm.s32 $0x3;
	s13 =	simm.s32 $0x0;
	s8 =	sshrl.u32 s31, $0x15  }
0x11: {  	s12 =	simm.s32 $0x0;
	s5 =	sadd.s32 $0x1400, s9;
	s10 =	smul.u32 $0x30, s8  }
.Ltmp0:
0x12: {  	s9 =	sadd.s32 $0x1600, s9;
	s2 =	rddreg [dreg:$0x2];
	(pc) =	sbr.rel .LBB2_1-.Ltmp0, $4  }
0x13: {  	_ =	strace $0x80000047;
	p0 =	sne.s32 s7, s10;
	s10 =	simm.s32 $0x1  }
0x14: {  	[sflag:s6] =	ssyncpa.u1 $0x0;
	s7 =	simm.s32 $0x2;
	s10 =	simm.s32 @!p0 $0x0  }
0x15: {  	[sflag:s7] =	ssyncpa.u1 $0x0;
	p0 =	por $0x0, $0x0;
	s8 =	sadd.s32 s8, s10  }
0x16: {  	vm0 =	vmmov $0xff;
	vm1 =	vcmask $0x3F20;
	[sflag:s11] =	ssyncpa.u1 $0x0;
	s11 =	smov.u32 s1;
	s10 =	sadd.s32 $0x1, s8  }
.LBB2_6:
0x17: {  	[hbm:s17] =	stream.linear.scatter [tilespmem:s14], [sflag:$0x3], $0x400, $0x38;
	[tilespmem:$0x3060] =	vst v63  }
.LBB2_7:
0x18: {  	s13 =	sadd.s32 $0x30, s11  }
0x19: {  	s15 =	smov.u32 s1;
	p2 =	slt.s32 s13, s3  }
0x1a: {  	s15 =	smov.u32 @p2 s13;
	p2 =	sne.s32 s12, s10  }
.Ltmp1:
0x1b: {  	p1 =	slt.u32 s12, $0x2;
	(pc) =	sbr.rel @!p2 .LBB2_8-.Ltmp1, $4  }
0x1c: {  	s14 =	simm.s32 @!p1 $0x3  }
0x1d: {  	s16 =	sadd.s32 $0x1, s12;
	_ =	swait.ge @!p1 [sflag:s14], $0x1800  }
0x1e: {  	p0 =	por !p0, !p0;
	s13 =	smov.u32 s11;
	[sflag:s14] =	ssyncset.done @!p1 $0x0  }
0x1f: {  	s12 =	smov.u32 s16;
	s11 =	smov.u32 s15;
	[sflag:s14] =	ssyncadd.s32 @!p1 $0xFFFFE800  }
.LBB2_1:
0x20: {  	p1 =	sge.u32 s12, s8  }
0x21: {  	s14 =	sxor.u32 @!p1 $0xFFFFFFFF, s12  }
0x22: {  	s14 =	sand.u32 @!p1 $0x1, s14  }
0x23: {  	s14 =	smul.u32 @!p1 $0xC0, s14  }
0x24: {  	s31 =	sadd.s32 $0xFFFFFFFF, s12;
	s15 =	sshrl.u32 @!p1 s11, $0x3  }
0x25: {  	s16 =	sand.u32 @!p1 $0x7, s11;
	s15 =	sadd.s32 @!p1 s5, s15;
	s14 =	sshrl.u32 @!p1 s14, $0x2  }
0x26: {  	[tilespmem:s14], [sflag:$0x2] =	stream.linear.gather @!p1 [hbm4b:s15+s16], $0x30, $0x38;
	[tilespmem:$0x3060] =	vst v63  }
0x27: {  	p1 =	sge.u32 s31, s8  }
.Ltmp2:
0x28: {  	_ = 	snop;
	(pc) =	sbr.rel @p1 .LBB2_7-.Ltmp2, $1  }
0x29: {  	_ =	sdelay $0x3  }
0x2a: {  	s14 =	simm.s32 $0x1  }
0x2b: {  	s14 =	simm.s32 @!p0 $0x0  }
0x2c: {  	s15 =	smul.u32 $0xC0, s14  }
0x2d: {  	_ =	swait.ge [sflag:s7], $0x30  }
0x2e: {  	[sflag:s7] =	ssyncset.done $0x0;
	s15 =	sshrl.u32 s15, $0x2  }
0x2f: {  	[sflag:s7] =	ssyncadd.s32 $0xFFFFFFD0;
	s16 =	sadd.s32 $0x0, s15  }
0x30: {  	v0 =	vld.msk [tilespmem:s16+$0x0 ss:$0x1], $0xffff;
	_ =	sdelay $0x4  }
0x31: {  	vm2 =	vgt.s32 v0, $0x0  }
0x32: {  	v0 =	vnsel vm2, $0x0, v0  }
0x33: {  	v0 =	vmin.u32 v0, $0x65F  }
0x34: {  	s14 =	smul.u32 $0x6000, s14;
	v0 =	vshll.u32 v0, $0x4;
	_ =	sdelay $0x1  }
0x35: {  	s14 =	sshrl.u32 s14, $0x2  }
0x36: {  	s14 =	sor.u32 $0x60, s14  }
0x37: {  	s16 =	simm.s32 $0x40;
	s18 =	sadd.s32 $0x400, s14;
	s17 =	sadd.s32 $0x800, s14  }
0x38: {  	[tilespmem:s14], [sflag:$0x1] =	stream.indirect_vreg.gather [hbm:s4], $0x80, v0, vm0, $0x38;
	[tilespmem:$0x3060] =	vst v63  }
.LBB2_3:
0x39: {  	[tilespmem:s18], [sflag:$0x1] =	stream.indirect_vreg.gather [hbm:s4], $0x80, v0, vm1, $0x38;
	[tilespmem:$0x3060] =	vst v63  }
0x3a: {  	s18 =	sshra.s32 s16, $0x2;
	p1 =	sne.s32 s16, $0x80;
	s16 =	sadd.s32 $0x40, s16  }
0x3b: {  	s18 =	sadd.s32 s18, s15  }
0x3c: {  	v0 =	vld.msk [tilespmem:s18+$0x0 ss:$0x1], $0xffff;
	_ =	sdelay $0x5  }
0x3d: {  	vm2 =	vgt.s32 v0, $0x0  }
0x3e: {  	v0 =	vnsel vm2, $0x0, v0  }
0x3f: {  	v0 =	vmin.u32 v0, $0x65F  }
0x40: {  	v0 =	vshll.u32 v0, $0x4;
	_ =	sdelay $0x1  }
.Ltmp3:
0x41: {  	(pc) =	sbr.rel @p1 .LBB2_3-.Ltmp3, $3  }
0x42: {  	_ =	sdelay $0x1  }
0x43: {  	[tilespmem:s17], [sflag:$0x1] =	stream.indirect_vreg.gather [hbm:s4], $0x80, v0, vm0, $0x38;
	[tilespmem:$0x3060] =	vst v63  }
0x44: {  	s18 =	sadd.s32 $0x400, s17;
	s17 =	sadd.s32 $0x800, s17  }
0x45: {  	_ =	sdelay $0x3  }
0x46: {  	[tilespmem:s18], [sflag:$0x1] =	stream.indirect_vreg.gather [hbm:s4], $0x80, v0, vm1, $0x38;
	[tilespmem:$0x3060] =	vst v63  }
0x47: {  	s13 =	sshll.u32 s13, $0x4;
	_ =	swait.ge [sflag:s6], $0x1800  }
0x48: {  	s15 =	simm.s32 $0x80;
	s13 =	sadd.s32 s13, s9;
	[sflag:s6] =	ssyncset.done $0x0  }
0x49: {  	s16 =	sadd.s32 $0x400, s14;
	s17 =	sadd.s32 $0x0, s13;
	[sflag:s6] =	ssyncadd.s32 $0xFFFFE800  }
.LBB2_5:
0x4a: {  	[hbm:s17] =	stream.linear.scatter [tilespmem:s14], [sflag:$0x3], $0x400, $0x38;
	[tilespmem:$0x3060] =	vst v63  }
0x4b: {  	s17 =	smov.u32 s15;
	s14 =	smov.u32 s16;
	p1 =	sne.s32 s15, $0x280  }
.Ltmp4:
0x4c: {  	s15 =	sadd.s32 $0x80, s15;
	(pc) =	sbr.rel @p1 .LBB2_5-.Ltmp4, $2  }
0x4d: {  	_ =	sdelay $0x2  }
0x4e: {  	s16 =	sadd.s32 $0x400, s16;
	s17 =	sadd.s32 s17, s13  }
.Ltmp5:
0x4f: {  	_ = 	snop;
	(pc) =	sbr.rel .LBB2_6-.Ltmp5, $1  }
0x50: {  	_ =	sdelay $0x3  }
.LBB2_8:
0x51: {  	_ =	sfence.sel $0x180000  }
0x52: {  	s1 =	simm.s32 $0x2;
	[bflag:$0x0] =	sbarrier.arrive $0xFFFF  }
0x53: {  	s30 =	simm.s32 $0x3;
	[sflag:s1] =	ssyncpa.u1 $0x1  }
0x54: {  	s31 =	simm.s32 $0x1;
	[sflag:s30] =	ssyncpa.u1 $0x1  }
0x55: {  	[sflag:s31] =	ssyncpa.u1 $0x1  }
0x56: {  	p0 =	sne.s32 s0, $0x0;
	_ =	strace $0x90000047  }
0x57: {  	s0 =	sadd.s32 @!p0 $0x100000, s2;
	[bflag:$0x2] =	sbarrier.arrive $0xFFFF  }
0x58: {  	[sflag:s0] =	ssyncadd.tile.s32 @!p0 $0x1;
	_ =	shalt  }
.Lfunc_end2:
_tile_overlayer_lowered:
.L_overlay_start_2:
0x59: {  	(tag) =	ssettag $0x2  }
0x5a: {  	s0 =	rddreg [dreg:$0x0];
	s2 =	stileid.u32  }
0x5b: {  	s1 =	rddreg [dreg:$0x1];
	p0 =	sne.s32 s2, $0x0  }
0x5c: {  	s3 =	rddreg [dreg:$0x2];
	[bflag:$0x3] =	sbarrier.arrive $0xFFFF;
	s2 =	simm.s32 @!p0 $0x1C01  }
0x5d: {  	[timem:s3], [sflag:s2] =	dma.local @!p0 [hbm:s0], s1  }
0x5e: {  	s0 =	simm.s32 @!p0 $0x1  }
0x5f: {  	_ =	swait.ge @!p0 [sflag:s0], s1  }
0x60: {  	s1 =	ssub.s32 @!p0 $0x0, s1;
	[sflag:s0] =	ssyncset.done @!p0 $0x0  }
0x61: {  	[sflag:s0] =	ssyncadd.s32 @!p0 s1  }
0x62: {  	[bflag:$0x3] =	sbarrier.arrive $0xFFFF  }
0x63: {  	_ =	shalt  }

// kernel: sparse-core-data-format-call.1.cloned.1.call-start
scs
called_computation.1_lowered:
.L_overlay_start_0:
0x0: {  	s2 =	sld [smem:$0x3FD9]  }
0x1: {  	s3 =	sld [smem:$0x3FFE];
	_ =	sdelay $0x1  }
0x2: {  	s1 =	srdreg.scid  }
0x3: {  	s0 =	sand.u32 $0x1, s1  }
0x4: {  	s16 =	sshll.u32 s0, $0xA;
	s2 =	sadd.s32 s3, s2  }
0x5: {  	s2 =	sadd.s32 s2, s16  }
0x6: {  	[smem:$0x3FBC] =	sst s2  }
0x7: {  	_ = 	snop  }
0x8: {  	s2 =	sld [smem:$0x3FD0];
	_ =	sdelay $0x2  }
0x9: {  	s17 =	simm.s32 $0xB;
	s4 =	simm.s32 $0x10  }
0xa: {  	[smem:s4], [sflag:s17] =	dma.local [hbm:s2], $0x1  }
0xb: {  	_ =	swait.eq [sflag:s17], $0x1  }
0xc: {  	[sflag:s17] =	ssyncset.done $0x0  }
0xd: {  	[sflag:s17] =	ssyncadd.s32 $0xFFFFFFFF  }
0xe: {  	s18 =	sld [smem:$0x10];
	(tm) =	ssettm $0x1  }
0xf: {  	s19 =	sld [smem:$0x3FFB];
	_ =	sdelay $0x3  }
0x10: {  	_ =	strace s19  }
0x11: {  	s2 =	sld [smem:$0x3FFC];
	_ =	sdelay $0x3  }
0x12: {  	_ =	strace s2  }
0x13: {  	s2 =	sld [smem:$0x3FFD];
	_ =	sdelay $0x3  }
0x14: {  	_ =	strace s2  }
0x15: {  	_ =	strace $0x8FFFFFFF  }
0x16: {  	s20 =	sld [smem:$0x3FDB];
	_ =	sdelay $0x1  }
0x17: {  	s21 =	simm.s32 $_scs_section_size  }
0x18: {  	s5 =	simm.s32 $_size__tile_overlayer_lowered;
	s6 =	simm.s32 $_tile_overlayer_lowered  }
0x19: {  	s7 =	simm.s32 $0x1BFF;
	s22 =	sshll.u32 s6, $0x1;
	s4 =	sadd.s32 s21, s20  }
0x1a: {  	s23 =	simm.s32 $0x0;
	s5 =	sshll.u32 s5, $0x1;
	s6 =	sadd.s32 s22, s4  }
0x1b: {  	[timem:s23], [sflag:s7] =	dma.local [hbm:s6], s5  }
0x1c: {  	_ =	swait.ge [sflag:s7], s5  }
0x1d: {  	s5 =	ssub.s32 $0x0, s5;
	[sflag:s7] =	ssyncset.done $0x0  }
0x1e: {  	[sflag:s7] =	ssyncadd.s32 s5;
	_ =	sdelay $0x1  }
0x1f: {  	s24 =	simm.s32 $0x1B8B  }
0x20: {  	_ =	swait.ge [sflag:s24], $0x1  }
0x21: {  	[sflag:s24] =	ssyncset.done $0x0  }
0x22: {  	[sflag:s24] =	ssyncadd.s32 $0xFFFFFFFF  }
0x23: {  	s5 =	sld [smem:$0x0]  }
0x24: {  	s6 =	sand.u32 $0xFFFFFFFE, s1  }
0x25: {  	p0 =	sne.s32 s1, s6  }
0x26: {  	s6 =	sshll.u32 @p0 s6, $0xE  }
0x27: {  	s6 =	sadd.s32 @p0 $0x11B8D, s6;
	s7 =	sshll.u32 @p0 s5, $0x11  }
0x28: {  	s6 =	sor.u32 @p0 s7, s6  }
0x29: {  	[sflag:s6] =	ssyncadd.remote.s32 @p0 $0x1;
	_ =	sdelay $0x1  }
0x2a: {  	s6 =	simm.s32 @p0 $0x1B8D  }
0x2b: {  	_ =	swait.eq @p0 [sflag:s6], $0x1  }
0x2c: {  	[sflag:s6] =	ssyncadd.s32 @p0 $0xFFFFFFFF  }
0x2d: {  	s7 =	sshll.u32 @!p0 s1, $0xE  }
0x2e: {  	s7 =	sor.u32 @!p0 $0x4000, s7;
	s6 =	simm.s32 @!p0 $0x1B8D  }
0x2f: {  	s5 =	sshll.u32 @!p0 s5, $0x11;
	s7 =	sadd.s32 @!p0 $0x11B8D, s7;
	_ =	swait.eq @!p0 [sflag:s6], $0x1  }
0x30: {  	s5 =	sor.u32 @!p0 s5, s7;
	[sflag:s6] =	ssyncadd.s32 @!p0 $0xFFFFFFFF  }
0x31: {  	s26 =	simm.s32 $0x1B8E;
	s25 =	sld [smem:$0x3FFE];
	[sflag:s5] =	ssyncadd.remote.s32 @!p0 $0x1  }
0x32: {  	s27 =	simm.s32 $execute0_lowered;
	[smem:$0x3FD2] =	sst s26  }
0x33: {  	s6 =	sshll.u32 s27, $0x1;
	_ =	strace $0x8000004F;
	[dreg:$0x1] =	wrdreg $0xFFFFFFFF  }
0x34: {  	s28 =	simm.s32 $_size_execute0_lowered;
	s4 =	sadd.s32 s4, s6;
	[dreg:$0x0] =	wrdreg $0x0  }
0x35: {  	s6 =	sshll.u32 s28, $0x1;
	[dreg:$0x2] =	wrdreg s4  }
0x36: {  	[dreg:$0x3] =	wrdreg s6  }
0x37: {  	[dreg:$0x4] =	wrdreg $0xC0  }
0x38: {  	_ =	task [dreg:s23], $0x5FFFF  }
0x39: {  	[dreg:$0x1] =	wrdreg $0xFFFFFFFF  }
0x3a: {  	[dreg:$0x0] =	wrdreg $0x60  }
0x3b: {  	[dreg:$0x2] =	wrdreg s25  }
0x3c: {  	[dreg:$0x3] =	wrdreg s18  }
0x3d: {  	[dreg:$0x4] =	wrdreg $0xA  }
0x3e: {  	_ =	task.clear_ibuf [dreg:s23], $0x5FFFF;
	_ =	strace $0x9000004F  }
0x3f: {  	s29 =	simm.s32 $0xA;
	_ =	strace $0x80000051  }
0x40: {  	_ =	swait.ge [sflag:s29], $0x1  }
0x41: {  	[sflag:s29] =	ssyncadd.s32 $0xFFFFFFFF  }
0x42: {  	_ =	strace $0x90000051  }
0x43: {  	_ =	sfence  }
0x44: {  	s30 =	sld [smem:$0x0];
	_ =	sdelay $0x2  }
0x45: {  	s31 =	sshll.u32 s1, $0xD;
	s1 =	sshrl.u32 s1, $0x2  }
0x46: {  	s4 =	sand.u32 $0x4000, s31;
	s1 =	sadd.s32 s1, s30  }
0x47: {  	s0 =	sor.u32 s4, s0;
	s1 =	sshll.u32 s1, $0x11  }
0x48: {  	s0 =	sor.u32 s1, s0  }
0x49: {  	s0 =	sadd.s32 $0x8F2B, s0  }
0x4a: {  	[sflag:s0] =	ssyncadd.remote.s32 $0x1  }
0x4b: {  	_ =	sfence.sel $0xFFFF  }
0x4c: {  	[dreg:$0x0] =	wrdreg $0xFFFFFFFF;
	(pc) =	sbr.abs _section_cstart, $3  }
0x4d: {  	[dreg:$0x1] =	wrdreg $0xFFFFFFFF  }
0x4e: {  	_ =	task.clear_ibuf [dreg:s23], $0x2FFFF;
	_ =	strace $0x9FFFFFFF  }
0x4f: {  	(tm) =	ssettm $0x7FFFFFFF  }
tec
execute0_lowered:
.L_overlay_start_1:
0x0: {  	(tag) =	ssettag $0x1  }
0x1: {  	s0 =	rddreg [dreg:$0x0];
	_ =	strace $0x80000050  }
0x2: {  	s1 =	srdreg.scid;
	s5 =	stileid.u32;
	s3 =	simm.s32 $0x1  }
0x3: {  	s2 =	simm.s32 $0x2;
	s15 =	simm.s32 $0x0;
	p0 =	por $0x0, $0x0  }
0x4: {  	s6 =	simm.s32 $0x80;
	s7 =	simm.s32 $0x11000;
	s17 =	simm.s32 $0x0  }
.Ltmp0:
0x5: {  	s16 =	simm.s32 $0x0;
	s8 =	simm.s32 $0x0;
	(pc) =	sbr.rel .LBB1_1-.Ltmp0, $4  }
0x6: {  	s10 =	simm.s32 $0x0;
	s11 =	simm.s32 $0x0;
	s1 =	sshll.u32 s1, $0x4  }
0x7: {  	s12 =	simm.s32 $0x0;
	s13 =	simm.s32 $0x0;
	s1 =	sand.u32 $0x10, s1  }
0x8: {  	s9 =	simm.s32 $0x0;
	[sflag:s3] =	ssyncpa.u1 $0x0;
	s5 =	sor.u32 s5, s1  }
0x9: {  	s4 =	sadd.s32 $0x899200, s0;
	[sflag:s2] =	ssyncpa.u1 $0x0;
	s14 =	smov.u32 s5  }
.LBB1_13:
0xa: {  	p1 =	sgt.s32 s8, $0x10;
	s0 =	smov.u32 s8  }
0xb: {  	s0 =	simm.s32 @!p1 $0x10  }
0xc: {  	s0 =	sadd.s32 s18, s0  }
0xd: {  	s1 =	sadd.s32 $0xFFFFFFF0, s0  }
0xe: {  	s28 =	smul.u32 $0x2200, s10;
	s0 =	ssub.s32 $0x11, s0;
	p1 =	sgt.s32 s1, $0x0  }
0xf: {  	s2 =	sshll.u32 s11, $0x4;
	s29 =	rddreg [dreg:$0x1];
	s0 =	simm.s32 @p1 $0x0  }
0x10: {  	s2 =	sand.u32 $0x1F0, s2;
	s1 =	sadd.s32 s29, s28;
	s0 =	smul.u32 s0, s19  }
0x11: {  	s30 =	sshll.u32 s8, $0x9;
	s1 =	sadd.s32 s2, s1  }
0x12: {  	s31 =	sor.u32 $0x8000, s21;
	s1 =	sadd.s32 s30, s1;
	s0 =	sand.u32 $0x3FFFFF80, s0  }
0x13: {  	[hbm4b:s1+s6] =	stream.strided.scatter [tilespmem:s31], [sflag:$0x2], s0, s7, s6, $0x38;
	[tilespmem:$0x10000] =	vst v63  }
.LBB1_14:
0x14: {  	p1 =	slt.u32 s9, $0x2  }
0x15: {  	p2 =	sgt.s32 @!p1 s17, $0x73  }
0x16: {  	s0 =	smov.u32 s17;
	s1 =	sshra.s32 @!p1 s17, $0x1F;
	p2 =	por !p2, p1  }
0x17: {  	s1 =	sand.u32 @!p1 s1, s17;
	s0 =	simm.s32 @p2 $0x73  }
0x18: {  	s0 =	ssub.s32 @!p1 s0, s1  }
0x19: {  	s18 =	smov.u32 s13;
	s1 =	sadd.s32 @!p1 $0xFFFFFF8D, s0  }
0x1a: {  	p3 =	sgt.s32 @!p1 s16, $0x1F;
	s2 =	sshra.s32 @!p1 s16, $0x1F;
	p2 =	sgt.s32 @!p1 s1, $0x7F  }
0x1b: {  	s2 =	sand.u32 @!p1 s2, s16;
	s0 =	ssub.s32 @!p1 $0xF3, s0;
	p2 =	por !p2, p1  }
0x1c: {  	s1 =	smov.u32 s16;
	s0 =	simm.s32 @!p2 $0x0;
	p2 =	por !p3, p1  }
0x1d: {  	s16 =	smov.u32 s15;
	p3 =	sgt.s32 @!p1 s15, $0x10;
	s1 =	simm.s32 @p2 $0x1F  }
0x1e: {  	p2 =	por !p3, p1;
	s1 =	ssub.s32 @!p1 s1, s2;
	s2 =	sshra.s32 @!p1 s15, $0x1F  }
0x1f: {  	s16 =	simm.s32 @p2 $0x10;
	s2 =	sand.u32 @!p1 s2, s15;
	s1 =	sadd.s32 @!p1 $0xFFFFFFE1, s1  }
0x20: {  	s2 =	ssub.s32 @!p1 s16, s2;
	p2 =	sgt.s32 @!p1 s1, $0x0;
	s1 =	sshll.u32 @!p1 s1, $0x7  }
0x21: {  	s15 =	sadd.s32 @!p1 $0xFFFFFFF0, s2;
	s1 =	ssub.s32 @!p1 $0x80, s1;
	p2 =	por !p2, p1  }
0x22: {  	s2 =	ssub.s32 @!p1 $0x11, s2;
	p3 =	sgt.s32 @!p1 s15, $0x0;
	s1 =	simm.s32 @!p2 $0x0  }
0x23: {  	p2 =	por !p3, p1;
	s0 =	smul.u32 @!p1 s0, s1;
	s1 =	sadd.s32 $0x1, s12  }
0x24: {  	s15 =	sadd.s32 $0x80, s13;
	s2 =	simm.s32 @!p2 $0x0;
	p2 =	sgt.s32 s1, $0x10  }
0x25: {  	s19 =	smov.u32 s14;
	s18 =	smov.u32 @p2 s15  }
0x26: {  	s0 =	smul.u32 @!p1 s2, s0;
	s2 =	sadd.s32 $0x20, s14;
	p3 =	sgt.s32 s18, $0xF2  }
0x27: {  	s9 =	sadd.s32 $0x1, s9;
	p0 =	por !p0, !p0;
	s19 =	smov.u32 @p3 s2  }
0x28: {  	s17 =	smov.u32 s10;
	s1 =	simm.s32 @p2 $0x0;
	p2 =	sgt.s32 s19, $0x1F  }
0x29: {  	s10 =	smov.u32 s13;
	s19 =	smov.u32 @p2 s5;
	p2 =	sne.s32 s9, $0x24  }
.Ltmp1:
0x2a: {  	s16 =	smov.u32 s11;
	s11 =	smov.u32 s14;
	(pc) =	sbr.rel @!p2 .LBB1_15-.Ltmp1, $4  }
0x2b: {  	s15 =	smov.u32 s8;
	s0 =	sand.u32 @!p1 $0x3FFFFF80, s0;
	s2 =	simm.s32 @!p1 $0x2  }
0x2c: {  	s8 =	smov.u32 s12;
	s12 =	smov.u32 s1;
	_ =	swait.ge @!p1 [sflag:s2], s0  }
0x2d: {  	s18 =	simm.s32 @p3 $0x0;
	s0 =	ssub.s32 @!p1 $0x0, s0;
	[sflag:s2] =	ssyncset.done @!p1 $0x0  }
0x2e: {  	s13 =	smov.u32 s18;
	[sflag:s2] =	ssyncadd.s32 @!p1 s0;
	s14 =	smov.u32 s19  }
.LBB1_1:
0x2f: {  	p1 =	sgt.u32 s9, $0x21  }
0x30: {  	s1 =	smov.u32 s14;
	s19 =	smov.u32 s13;
	p2 =	sgt.s32 @!p1 s14, $0x1F  }
0x31: {  	s0 =	sand.u32 @!p1 $0x1FFFFFF, s12;
	s18 =	sshra.s32 @!p1 s14, $0x1F;
	p2 =	por !p2, p1  }
0x32: {  	s20 =	sshra.s32 @!p1 s13, $0x1F;
	s1 =	simm.s32 @p2 $0x1F;
	p2 =	sgt.s32 @!p1 s13, $0x73  }
0x33: {  	s2 =	smulhi.u32 @!p1 $0xAAAAAAB, s0;
	s18 =	sand.u32 @!p1 s18, s14;
	p2 =	por !p2, p1  }
0x34: {  	s20 =	sand.u32 @!p1 s20, s13;
	s1 =	ssub.s32 @!p1 s1, s18;
	s19 =	simm.s32 @p2 $0x73  }
0x35: {  	p2 =	sgt.s32 @!p1 s12, $0x17;
	s1 =	sadd.s32 @!p1 $0xFFFFFFE1, s1;
	s18 =	ssub.s32 @!p1 s19, s20  }
0x36: {  	p2 =	por !p2, p1;
	s20 =	smov.u32 s12;
	s19 =	sadd.s32 @!p1 $0xFFFFFF8D, s18  }
0x37: {  	s20 =	simm.s32 @p2 $0x17;
	p3 =	sgt.s32 @!p1 s19, $0x7F;
	s19 =	sshra.s32 @!p1 s12, $0x1F  }
0x38: {  	p2 =	sgt.s32 @!p1 s1, $0x0;
	s1 =	sshll.u32 @!p1 s1, $0x7;
	s19 =	sand.u32 @!p1 s19, s12  }
0x39: {  	s18 =	ssub.s32 @!p1 $0xF3, s18;
	s1 =	ssub.s32 @!p1 $0x80, s1;
	s19 =	ssub.s32 @!p1 s20, s19  }
0x3a: {  	p2 =	por !p2, p1;
	p3 =	por !p3, p1;
	s20 =	sadd.s32 @!p1 $0xFFFFFFE9, s19  }
0x3b: {  	s1 =	simm.s32 @!p2 $0x0;
	s18 =	simm.s32 @!p3 $0x0;
	p3 =	sgt.s32 @!p1 s20, $0x0  }
0x3c: {  	s19 =	ssub.s32 @!p1 $0x18, s19;
	s1 =	smul.u32 @!p1 s18, s1;
	p2 =	por !p3, p1  }
0x3d: {  	s2 =	smul.u32 @!p1 $0x18, s2;
	s19 =	simm.s32 @!p2 $0x0  }
0x3e: {  	s1 =	smul.u32 @!p1 s19, s1  }
0x3f: {  	s19 =	smul.u32 @!p1 $0x16C80, s14  }
0x40: {  	s0 =	ssub.s32 @!p1 s0, s2;
	s18 =	sxor.u32 @!p1 $0xFFFFFFFF, s9;
	s20 =	smul.u32 @!p1 $0x180, s13  }
0x41: {  	s0 =	sshll.u32 @!p1 s0, $0x4;
	s18 =	sshll.u32 @!p1 s18, $0xE;
	s2 =	sadd.s32 @!p1 s4, s19  }
0x42: {  	s18 =	sand.u32 @!p1 $0x4000, s18;
	s1 =	sand.u32 @!p1 $0x3FFFFF80, s1;
	s2 =	sadd.s32 @!p1 s20, s2  }
0x43: {  	s19 =	simm.s32 @!p1 $0xC00;
	s0 =	sadd.s32 @!p1 s0, s2;
	s2 =	simm.s32 @!p1 $0x80  }
0x44: {  	[tilespmem:s18], [sflag:$0x1] =	stream.strided.gather @!p1 [hbm4b:s0+s2], s1, s19, s2, $0x38;
	[tilespmem:$0x10000] =	vst v63  }
0x45: {  	p1 =	seq.s32 s9, $0x0  }
0x46: {  	p2 =	seq.s32 @!p1 s9, $0x23  }
0x47: {  	p1 =	por p1, p2  }
.Ltmp2:
0x48: {  	_ = 	snop;
	(pc) =	sbr.rel @p1 .LBB1_14-.Ltmp2, $1  }
0x49: {  	_ =	sdelay $0x3  }
0x4a: {  	p1 =	sgt.s32 s11, $0x1F  }
0x4b: {  	s0 =	smov.u32 s11;
	s1 =	sshra.s32 s11, $0x1F;
	s2 =	sshra.s32 s10, $0x1F  }
0x4c: {  	s28 =	ssub.s32 $0x0, s8;
	s29 =	sshra.s32 s8, $0x1F;
	p2 =	sgt.s32 s8, $0x17  }
0x4d: {  	s19 =	smov.u32 s8;
	s0 =	simm.s32 @!p1 $0x1F;
	s1 =	sand.u32 s1, s11  }
0x4e: {  	p1 =	sgt.s32 s10, $0x73;
	s0 =	ssub.s32 s0, s1;
	s1 =	smov.u32 s10  }
0x4f: {  	s2 =	sand.u32 s2, s10;
	s19 =	simm.s32 @!p2 $0x17;
	s1 =	simm.s32 @!p1 $0x73  }
0x50: {  	s18 =	sadd.s32 $0xFFFFFFE1, s0;
	s0 =	ssub.s32 $0x20, s0;
	s1 =	ssub.s32 s1, s2  }
0x51: {  	p1 =	sgt.s32 s18, $0x0;
	s18 =	sand.u32 s28, s29;
	s20 =	sadd.s32 $0xFFFFFF8D, s1  }
0x52: {  	s1 =	ssub.s32 $0xF3, s1;
	s2 =	sadd.s32 s18, s19;
	p2 =	sgt.s32 s20, $0x7F  }
0x53: {  	s0 =	simm.s32 @p1 $0x0;
	s19 =	sadd.s32 $0xFFFFFFE9, s2;
	s1 =	simm.s32 @p2 $0x0  }
0x54: {  	p1 =	sgt.s32 s19, $0x0;
	s0 =	smul.u32 s0, s1;
	s1 =	ssub.s32 $0x18, s2  }
0x55: {  	s2 =	sadd.s32 $0x1, s11;
	s1 =	simm.s32 @p1 $0x0  }
0x56: {  	p1 =	slt.s32 s2, $0x20;
	s19 =	sshll.u32 s0, $0x7;
	s0 =	sadd.s32 $0x80, s10  }
0x57: {  	s2 =	simm.s32 @!p1 $0x20;
	p1 =	slt.s32 s0, $0xF3  }
0x58: {  	s20 =	ssub.s32 s2, s11;
	s2 =	sadd.s32 $0x1, s8;
	s0 =	simm.s32 @!p1 $0xF3  }
0x59: {  	p1 =	slt.s32 s2, $0x11;
	p2 =	slt.s32 s20, $0x1;
	s22 =	ssub.s32 s0, s10  }
0x5a: {  	s2 =	simm.s32 @!p1 $0x11;
	p1 =	slt.s32 @!p2 s22, $0x1  }
0x5b: {  	s23 =	ssub.s32 s2, s8;
	p1 =	por p2, p1  }
0x5c: {  	p2 =	slt.s32 @!p1 s23, $0x1  }
0x5d: {  	s1 =	smul.u32 s1, s19;
	p1 =	por p1, p2  }
.Ltmp3:
0x5e: {  	_ = 	snop;
	(pc) =	sbr.rel @p1 .LBB1_13-.Ltmp3, $4  }
0x5f: {  	s30 =	sand.u32 $0x3FFFFF80, s1  }
0x60: {  	_ =	swait.ge [sflag:s3], s30  }
0x61: {  	s31 =	sshll.u32 s9, $0xE;
	s1 =	ssub.s32 $0x0, s30;
	[sflag:s3] =	ssyncset.done $0x0  }
0x62: {  	s21 =	sand.u32 $0x4000, s31;
	[sflag:s3] =	ssyncadd.s32 s1  }
.Ltmp4:
0x63: {  	s0 =	simm.s32 $0x1;
	(pc) =	sbr.rel .LBB1_4-.Ltmp4, $4  }
0x64: {  	s0 =	simm.s32 @!p0 $0x0  }
0x65: {  	s0 =	sshll.u32 s0, $0x10  }
0x66: {  	s0 =	sshrl.u32 s0, $0x2  }
0x67: {  	s25 =	simm.s32 $0x0;
	s26 =	simm.s32 $0x0;
	s24 =	sadd.s32 $0x8040, s0  }
.LBB1_12:
0x68: {  	s26 =	sadd.s32 $0x1, s26  }
0x69: {  	p1 =	sne.s32 s26, s20  }
.Ltmp5:
0x6a: {  	_ = 	snop;
	(pc) =	sbr.rel @!p1 .LBB1_13-.Ltmp5, $2  }
0x6b: {  	_ =	sdelay $0x2  }
0x6c: {  	s25 =	sadd.s32 $0x80, s25  }
.LBB1_4:
0x6d: {  	s0 =	sshll.u32 s26, $0x10  }
0x6e: {  	s1 =	sand.u32 $0x380, s25;
	s0 =	sshra.s32 s0, $0x2  }
0x6f: {  	s28 =	simm.s32 $0x0;
	s29 =	sadd.s32 s1, s24;
	s27 =	sadd.s32 s0, s21  }
.LBB1_5:
0x70: {  	s0 =	sshll.u32 s28, $0x9  }
0x71: {  	s0 =	sshra.s32 s0, $0x2  }
0x72: {  	p2 =	sne.s32 s23, $0x1;
	s0 =	sadd.s32 s0, s27  }
.Ltmp6:
0x73: {  	v0 =	vmov s0;
	(pc) =	sbr.rel @!p2 .LBB1_6-.Ltmp6, $3  }
0x74: {  	_ =	sdelay $0x1  }
0x75: {  	s1 =	simm.s32 $0x0  }
0x76: {  	s2 =	sadd.s32 $0xFFFFFFFF, s23;
	p1 =	por $0x0, $0x0;
	s0 =	sand.u32 $0x380, s1  }
0x77: {  	_ =	sdelay $0x3  }
0x78: {  	v1 =	vld.idx.msk [tilespmem:v0+s0+$0x70 ss:$0x1], $0xffff  }
0x79: {  	v7 =	vld.idx.msk [tilespmem:v0+s0+$0x0 ss:$0x1], $0xffff  }
0x7a: {  	v2 =	vld.idx.msk [tilespmem:v0+s0+$0x10 ss:$0x1], $0xffff;
	p2 =	sne.s32 s2, $0x1  }
.Ltmp7:
0x7b: {  	v4 =	vld.idx.msk [tilespmem:v0+s0+$0x20 ss:$0x1], $0xffff;
	(pc) =	sbr.rel @!p2 .LBB1_8-.Ltmp7, $4  }
0x7c: {  	v5 =	vld.idx.msk [tilespmem:v0+s0+$0x30 ss:$0x1], $0xffff  }
0x7d: {  	v6 =	vld.idx.msk [tilespmem:v0+s0+$0x40 ss:$0x1], $0xffff  }
0x7e: {  	v3 =	vld.idx.msk [tilespmem:v0+s0+$0x50 ss:$0x1], $0xffff;
	s1 =	simm.s32 $0x80;
	s2 =	sadd.s32 $0xFFFFFFFF, s2;
	[tilespmem:s29+$0x30] =	vst v1  }
0x7f: {  	p1 =	por $0x1, $0x1;
	s30 =	smov.u32 s29;
	s31 =	sand.u32 $0x380, s1;
	[tilespmem:s29+$0xFFFFFFC0] =	vst v7;
	v1 =	vld.idx.msk [tilespmem:v0+s0+$0x60 ss:$0x1], $0xffff  }
.LBB1_9:
0x80: {  	p2 =	sne.s32 s2, $0x1;
	v7 =	vld.idx.msk [tilespmem:v0+s31+$0x70 ss:$0x1], $0xffff;
	[tilespmem:s30+$0xFFFFFFD0] =	vst v2  }
0x81: {  	v8 =	vld.idx.msk [tilespmem:v0+s31+$0x0 ss:$0x1], $0xffff;
	[tilespmem:s30+$0xFFFFFFE0] =	vst v4  }
0x82: {  	v2 =	vld.idx.msk [tilespmem:v0+s31+$0x10 ss:$0x1], $0xffff;
	[tilespmem:s30+$0xFFFFFFF0] =	vst v5  }
.Ltmp8:
0x83: {  	v4 =	vld.idx.msk [tilespmem:v0+s31+$0x20 ss:$0x1], $0xffff;
	[tilespmem:s30+$0x0] =	vst v6;
	(pc) =	sbr.rel @p2 .LBB1_9-.Ltmp8, $4  }
0x84: {  	v5 =	vld.idx.msk [tilespmem:v0+s31+$0x30 ss:$0x1], $0xffff;
	[tilespmem:s30+$0x10] =	vst v3  }
0x85: {  	v6 =	vld.idx.msk [tilespmem:v0+s31+$0x40 ss:$0x1], $0xffff;
	[tilespmem:s30+$0x20] =	vst v1;
	s30 =	sadd.s32 $0x80, s30  }
0x86: {  	s1 =	sadd.s32 $0x80, s1;
	v3 =	vld.idx.msk [tilespmem:v0+s31+$0x50 ss:$0x1], $0xffff;
	[tilespmem:s30+$0x30] =	vst v7  }
0x87: {  	s2 =	sadd.s32 $0xFFFFFFFF, s2;
	[tilespmem:s30+$0xFFFFFFC0] =	vst v8;
	v1 =	vld.idx.msk [tilespmem:v0+s31+$0x60 ss:$0x1], $0xffff;
	s31 =	sand.u32 $0x380, s1  }
0x88: {  	s0 =	smov.u32 s31  }
.LBB1_11:
0x89: {  	_ =	sdelay $0x2  }
0x8a: {  	[tilespmem:s30+$0xFFFFFFD0] =	vst @p1 v2  }
0x8b: {  	v7 =	vld.idx.msk [tilespmem:v0+s0+$0x70 ss:$0x1], $0xffff;
	[tilespmem:s30+$0xFFFFFFE0] =	vst @p1 v4  }
0x8c: {  	v57 =	vld.idx.msk [tilespmem:v0+s0+$0x0 ss:$0x1], $0xffff;
	[tilespmem:s30+$0xFFFFFFF0] =	vst @p1 v5  }
0x8d: {  	v58 =	vld.idx.msk [tilespmem:v0+s0+$0x10 ss:$0x1], $0xffff;
	[tilespmem:s30+$0x0] =	vst @p1 v6  }
0x8e: {  	v59 =	vld.idx.msk [tilespmem:v0+s0+$0x20 ss:$0x1], $0xffff;
	s1 =	sadd.s32 @p1 $0x80, s30;
	[tilespmem:s30+$0x10] =	vst @p1 v3  }
0x8f: {  	s2 =	sadd.s32 $0x80, s29;
	v60 =	vld.idx.msk [tilespmem:v0+s0+$0x30 ss:$0x1], $0xffff;
	s29 =	smov.u32 @p1 s1;
	[tilespmem:s30+$0x20] =	vst @p1 v1  }
0x90: {  	v61 =	vld.idx.msk [tilespmem:v0+s0+$0x40 ss:$0x1], $0xffff;
	[tilespmem:s29+$0x30] =	vst v7  }
0x91: {  	v62 =	vld.idx.msk [tilespmem:v0+s0+$0x50 ss:$0x1], $0xffff;
	s28 =	sadd.s32 $0x1, s28;
	[tilespmem:s29+$0xFFFFFFC0] =	vst v57  }
0x92: {  	v63 =	vld.idx.msk [tilespmem:v0+s0+$0x60 ss:$0x1], $0xffff;
	p2 =	sne.s32 s28, s22;
	[tilespmem:s29+$0xFFFFFFD0] =	vst v58  }
.Ltmp9:
0x93: {  	[tilespmem:s29+$0xFFFFFFE0] =	vst v59;
	(pc) =	sbr.rel @p2 .LBB1_5-.Ltmp9, $4  }
.Ltmp10:
0x94: {  	[tilespmem:s29+$0xFFFFFFF0] =	vst v60;
	(pc) =	sbr.rel @!p2 .LBB1_12-.Ltmp10, $4  }
0x95: {  	[tilespmem:s29+$0x0] =	vst v61  }
0x96: {  	[tilespmem:s29+$0x10] =	vst v62  }
0x97: {  	[tilespmem:s29+$0x20] =	vst v63;
	s29 =	smov.u32 s2  }
0x98: {  	_ = 	snop  }
.LBB1_6:
.Ltmp11:
0x99: {  	(pc) =	sbr.rel .LBB1_11-.Ltmp11, $2  }
0x9a: {  	_ =	sdelay $0x2  }
0x9b: {  	s30 =	smov.u32 s29  }
.LBB1_8:
.Ltmp12:
0x9c: {  	(pc) =	sbr.rel .LBB1_11-.Ltmp12, $2  }
0x9d: {  	_ =	sdelay $0x2  }
0x9e: {  	s0 =	smov.u32 s31;
	s30 =	smov.u32 s29  }
.LBB1_15:
0x9f: {  	_ =	sfence.sel $0x180000  }
0xa0: {  	s0 =	simm.s32 $0x1;
	[bflag:$0x0] =	sbarrier.arrive $0xFFFF  }
0xa1: {  	s30 =	simm.s32 $0x2;
	[sflag:s0] =	ssyncpa.u1 $0x1  }
0xa2: {  	[sflag:s30] =	ssyncpa.u1 $0x1  }
0xa3: {  	_ =	strace $0x90000050  }
0xa4: {  	s31 =	stileid.u32;
	[bflag:$0x2] =	sbarrier.arrive $0xFFFF  }
0xa5: {  	p0 =	sne.s32 s31, $0x0;
	s0 =	rddreg [dreg:$0x2]  }
0xa6: {  	s0 =	sadd.s32 @!p0 $0x100000, s0  }
0xa7: {  	[sflag:s0] =	ssyncadd.tile.s32 @!p0 $0x1;
	_ =	shalt  }
.Lfunc_end1:
_tile_overlayer_lowered:
.L_overlay_start_2:
0xa8: {  	(tag) =	ssettag $0x2  }
0xa9: {  	s0 =	rddreg [dreg:$0x0];
	s2 =	stileid.u32  }
0xaa: {  	s1 =	rddreg [dreg:$0x1];
	p0 =	sne.s32 s2, $0x0  }
0xab: {  	s3 =	rddreg [dreg:$0x2];
	[bflag:$0x3] =	sbarrier.arrive $0xFFFF;
	s2 =	simm.s32 @!p0 $0x1C01  }
0xac: {  	[timem:s3], [sflag:s2] =	dma.local @!p0 [hbm:s0], s1  }
0xad: {  	s0 =	simm.s32 @!p0 $0x1  }
0xae: {  	_ =	swait.ge @!p0 [sflag:s0], s1  }
0xaf: {  	s1 =	ssub.s32 @!p0 $0x0, s1;
	[sflag:s0] =	ssyncset.done @!p0 $0x0  }
0xb0: {  	[sflag:s0] =	ssyncadd.s32 @!p0 s1  }
0xb1: {  	[bflag:$0x3] =	sbarrier.arrive $0xFFFF  }
0xb2: {  	_ =	shalt  }

// kernel: sparse-core-data-format-call.cloned.1.call-start
scs
called_computation_lowered:
.L_overlay_start_0:
0x0: {  	s2 =	sld [smem:$0x3FD9]  }
0x1: {  	s3 =	sld [smem:$0x3FFE];
	_ =	sdelay $0x1  }
0x2: {  	s1 =	srdreg.scid  }
0x3: {  	s0 =	sand.u32 $0x1, s1  }
0x4: {  	s15 =	sshll.u32 s0, $0xA;
	s2 =	sadd.s32 s3, s2  }
0x5: {  	s2 =	sadd.s32 s2, s15  }
0x6: {  	[smem:$0x3FBC] =	sst s2  }
0x7: {  	_ = 	snop  }
0x8: {  	s2 =	sld [smem:$0x3FD0];
	_ =	sdelay $0x2  }
0x9: {  	s16 =	simm.s32 $0xB;
	s4 =	simm.s32 $0x10  }
0xa: {  	[smem:s4], [sflag:s16] =	dma.local [hbm:s2], $0x1  }
0xb: {  	_ =	swait.eq [sflag:s16], $0x1  }
0xc: {  	[sflag:s16] =	ssyncset.done $0x0  }
0xd: {  	[sflag:s16] =	ssyncadd.s32 $0xFFFFFFFF  }
0xe: {  	s17 =	sld [smem:$0x11];
	(tm) =	ssettm $0x1  }
0xf: {  	s18 =	sld [smem:$0x3FFB];
	_ =	sdelay $0x3  }
0x10: {  	_ =	strace s18  }
0x11: {  	s3 =	sld [smem:$0x3FFC];
	_ =	sdelay $0x3  }
0x12: {  	_ =	strace s3  }
0x13: {  	s3 =	sld [smem:$0x3FFD];
	_ =	sdelay $0x3  }
0x14: {  	_ =	strace s3  }
0x15: {  	_ =	strace $0x8FFFFFFF  }
0x16: {  	s19 =	sld [smem:$0x3FDB];
	_ =	sdelay $0x1  }
0x17: {  	s20 =	simm.s32 $_scs_section_size  }
0x18: {  	s5 =	simm.s32 $_size__tile_overlayer_lowered;
	s6 =	simm.s32 $_tile_overlayer_lowered  }
0x19: {  	s23 =	simm.s32 $0x1BFF;
	s22 =	sshll.u32 s6, $0x1;
	s3 =	sadd.s32 s20, s19  }
0x1a: {  	s7 =	simm.s32 $0x0;
	s21 =	sshll.u32 s5, $0x1;
	s5 =	sadd.s32 s22, s3  }
0x1b: {  	[timem:s7], [sflag:s23] =	dma.local [hbm:s5], s21  }
0x1c: {  	_ =	swait.ge [sflag:s23], s21  }
0x1d: {  	s4 =	ssub.s32 $0x0, s21;
	[sflag:s23] =	ssyncset.done $0x0  }
0x1e: {  	[sflag:s23] =	ssyncadd.s32 s4;
	_ =	sdelay $0x1  }
0x1f: {  	s24 =	simm.s32 $0x1B8B  }
0x20: {  	_ =	swait.ge [sflag:s24], $0x1  }
0x21: {  	[sflag:s24] =	ssyncset.done $0x0  }
0x22: {  	s26 =	simm.s32 $0x1B8E;
	s25 =	sld [smem:$0x3FFE];
	[sflag:s24] =	ssyncadd.s32 $0xFFFFFFFF  }
0x23: {  	s27 =	simm.s32 $execute0_lowered;
	[smem:$0x3FD2] =	sst s26  }
0x24: {  	s5 =	sshll.u32 s27, $0x1;
	_ =	strace $0x8000004C;
	[dreg:$0x1] =	wrdreg $0xFFFFFFFF  }
0x25: {  	s28 =	simm.s32 $_size_execute0_lowered;
	s3 =	sadd.s32 s3, s5;
	[dreg:$0x0] =	wrdreg $0x0  }
0x26: {  	s5 =	sshll.u32 s28, $0x1;
	[dreg:$0x2] =	wrdreg s3  }
0x27: {  	[dreg:$0x3] =	wrdreg s5  }
0x28: {  	[dreg:$0x4] =	wrdreg $0xC0  }
0x29: {  	_ =	task [dreg:s7], $0x5FFFF  }
0x2a: {  	[dreg:$0x1] =	wrdreg $0xFFFFFFFF  }
0x2b: {  	[dreg:$0x0] =	wrdreg $0x60  }
0x2c: {  	[dreg:$0x2] =	wrdreg s25  }
0x2d: {  	[dreg:$0x3] =	wrdreg s17  }
0x2e: {  	[dreg:$0x4] =	wrdreg $0x9  }
0x2f: {  	_ =	task.clear_ibuf [dreg:s7], $0x5FFFF;
	_ =	strace $0x9000004C  }
0x30: {  	s29 =	simm.s32 $0x9;
	_ =	strace $0x8000004E  }
0x31: {  	_ =	swait.ge [sflag:s29], $0x1  }
0x32: {  	[sflag:s29] =	ssyncadd.s32 $0xFFFFFFFF  }
0x33: {  	_ =	strace $0x9000004E  }
0x34: {  	_ =	sfence  }
0x35: {  	s30 =	sld [smem:$0x0];
	_ =	sdelay $0x2  }
0x36: {  	s31 =	sshll.u32 s1, $0xD;
	s1 =	sshrl.u32 s1, $0x2  }
0x37: {  	s3 =	sand.u32 $0x4000, s31;
	s1 =	sadd.s32 s1, s30  }
0x38: {  	s0 =	sor.u32 s3, s0;
	s1 =	sshll.u32 s1, $0x11  }
0x39: {  	s0 =	sor.u32 s1, s0  }
0x3a: {  	s0 =	sadd.s32 $0x8F2B, s0  }
0x3b: {  	[sflag:s0] =	ssyncadd.remote.s32 $0x1  }
0x3c: {  	_ =	sfence.sel $0xFFFF  }
0x3d: {  	[dreg:$0x0] =	wrdreg $0xFFFFFFFF;
	(pc) =	sbr.abs _section_cstart, $3  }
0x3e: {  	[dreg:$0x1] =	wrdreg $0xFFFFFFFF  }
0x3f: {  	_ =	task.clear_ibuf [dreg:s7], $0x2FFFF;
	_ =	strace $0x9FFFFFFF  }
0x40: {  	(tm) =	ssettm $0x7FFFFFFF  }
0x41: {  	_ =	shalt  }
tec
execute0_lowered:
.L_overlay_start_1:
0x0: {  	(tag) =	ssettag $0x1  }
0x1: {  	s0 =	rddreg [dreg:$0x0];
	_ =	strace $0x8000004D  }
0x2: {  	s1 =	srdreg.scid;
	s5 =	stileid.u32;
	s3 =	simm.s32 $0x1  }
0x3: {  	s2 =	simm.s32 $0x2;
	s15 =	simm.s32 $0x0;
	p0 =	por $0x0, $0x0  }
0x4: {  	s6 =	simm.s32 $0x80;
	s7 =	simm.s32 $0x11000;
	s17 =	simm.s32 $0x0  }
.Ltmp0:
0x5: {  	s16 =	simm.s32 $0x0;
	s8 =	simm.s32 $0x0;
	(pc) =	sbr.rel .LBB1_1-.Ltmp0, $4  }
0x6: {  	s10 =	simm.s32 $0x0;
	s11 =	simm.s32 $0x0;
	s1 =	sshll.u32 s1, $0x4  }
0x7: {  	s12 =	simm.s32 $0x0;
	s13 =	simm.s32 $0x0;
	s1 =	sand.u32 $0x10, s1  }
0x8: {  	s9 =	simm.s32 $0x0;
	[sflag:s3] =	ssyncpa.u1 $0x0;
	s5 =	sor.u32 s5, s1  }
0x9: {  	s4 =	sadd.s32 $0x5C0200, s0;
	[sflag:s2] =	ssyncpa.u1 $0x0;
	s14 =	smov.u32 s5  }
.LBB1_13:
0xa: {  	p1 =	sgt.s32 s8, $0x10;
	s0 =	smov.u32 s8  }
0xb: {  	s0 =	simm.s32 @!p1 $0x10  }
0xc: {  	s0 =	sadd.s32 s18, s0  }
0xd: {  	s1 =	sadd.s32 $0xFFFFFFF0, s0  }
0xe: {  	s28 =	smul.u32 $0x2200, s10;
	s0 =	ssub.s32 $0x11, s0;
	p1 =	sgt.s32 s1, $0x0  }
0xf: {  	s2 =	sshll.u32 s11, $0x4;
	s29 =	rddreg [dreg:$0x1];
	s0 =	simm.s32 @p1 $0x0  }
0x10: {  	s2 =	sand.u32 $0x1F0, s2;
	s1 =	sadd.s32 s29, s28;
	s0 =	smul.u32 s0, s19  }
0x11: {  	s30 =	sshll.u32 s8, $0x9;
	s1 =	sadd.s32 s2, s1  }
0x12: {  	s31 =	sor.u32 $0x8000, s21;
	s1 =	sadd.s32 s30, s1;
	s0 =	sand.u32 $0x3FFFFF80, s0  }
0x13: {  	[hbm4b:s1+s6] =	stream.strided.scatter [tilespmem:s31], [sflag:$0x2], s0, s7, s6, $0x38;
	[tilespmem:$0x10000] =	vst v63  }
.LBB1_14:
0x14: {  	p1 =	slt.u32 s9, $0x2  }
0x15: {  	p2 =	sgt.s32 @!p1 s17, $0x73  }
0x16: {  	s0 =	smov.u32 s17;
	s1 =	sshra.s32 @!p1 s17, $0x1F;
	p2 =	por !p2, p1  }
0x17: {  	s1 =	sand.u32 @!p1 s1, s17;
	s0 =	simm.s32 @p2 $0x73  }
0x18: {  	s0 =	ssub.s32 @!p1 s0, s1  }
0x19: {  	s18 =	smov.u32 s13;
	s1 =	sadd.s32 @!p1 $0xFFFFFF8D, s0  }
0x1a: {  	p3 =	sgt.s32 @!p1 s16, $0x1F;
	s2 =	sshra.s32 @!p1 s16, $0x1F;
	p2 =	sgt.s32 @!p1 s1, $0x7F  }
0x1b: {  	s2 =	sand.u32 @!p1 s2, s16;
	s0 =	ssub.s32 @!p1 $0xF3, s0;
	p2 =	por !p2, p1  }
0x1c: {  	s1 =	smov.u32 s16;
	s0 =	simm.s32 @!p2 $0x0;
	p2 =	por !p3, p1  }
0x1d: {  	s16 =	smov.u32 s15;
	p3 =	sgt.s32 @!p1 s15, $0x10;
	s1 =	simm.s32 @p2 $0x1F  }
0x1e: {  	p2 =	por !p3, p1;
	s1 =	ssub.s32 @!p1 s1, s2;
	s2 =	sshra.s32 @!p1 s15, $0x1F  }
0x1f: {  	s16 =	simm.s32 @p2 $0x10;
	s2 =	sand.u32 @!p1 s2, s15;
	s1 =	sadd.s32 @!p1 $0xFFFFFFE1, s1  }
0x20: {  	s2 =	ssub.s32 @!p1 s16, s2;
	p2 =	sgt.s32 @!p1 s1, $0x0;
	s1 =	sshll.u32 @!p1 s1, $0x7  }
0x21: {  	s15 =	sadd.s32 @!p1 $0xFFFFFFF0, s2;
	s1 =	ssub.s32 @!p1 $0x80, s1;
	p2 =	por !p2, p1  }
0x22: {  	s2 =	ssub.s32 @!p1 $0x11, s2;
	p3 =	sgt.s32 @!p1 s15, $0x0;
	s1 =	simm.s32 @!p2 $0x0  }
0x23: {  	p2 =	por !p3, p1;
	s0 =	smul.u32 @!p1 s0, s1;
	s1 =	sadd.s32 $0x1, s12  }
0x24: {  	s15 =	sadd.s32 $0x80, s13;
	s2 =	simm.s32 @!p2 $0x0;
	p2 =	sgt.s32 s1, $0x10  }
0x25: {  	s19 =	smov.u32 s14;
	s18 =	smov.u32 @p2 s15  }
0x26: {  	s0 =	smul.u32 @!p1 s2, s0;
	s2 =	sadd.s32 $0x20, s14;
	p3 =	sgt.s32 s18, $0xF2  }
0x27: {  	s9 =	sadd.s32 $0x1, s9;
	p0 =	por !p0, !p0;
	s19 =	smov.u32 @p3 s2  }
0x28: {  	s17 =	smov.u32 s10;
	s1 =	simm.s32 @p2 $0x0;
	p2 =	sgt.s32 s19, $0x1F  }
0x29: {  	s10 =	smov.u32 s13;
	s19 =	smov.u32 @p2 s5;
	p2 =	sne.s32 s9, $0x24  }
.Ltmp1:
0x2a: {  	s16 =	smov.u32 s11;
	s11 =	smov.u32 s14;
	(pc) =	sbr.rel @!p2 .LBB1_15-.Ltmp1, $4  }
0x2b: {  	s15 =	smov.u32 s8;
	s0 =	sand.u32 @!p1 $0x3FFFFF80, s0;
	s2 =	simm.s32 @!p1 $0x2  }
0x2c: {  	s8 =	smov.u32 s12;
	s12 =	smov.u32 s1;
	_ =	swait.ge @!p1 [sflag:s2], s0  }
0x2d: {  	s18 =	simm.s32 @p3 $0x0;
	s0 =	ssub.s32 @!p1 $0x0, s0;
	[sflag:s2] =	ssyncset.done @!p1 $0x0  }
0x2e: {  	s13 =	smov.u32 s18;
	[sflag:s2] =	ssyncadd.s32 @!p1 s0;
	s14 =	smov.u32 s19  }
.LBB1_1:
0x2f: {  	p1 =	sgt.u32 s9, $0x21  }
0x30: {  	s1 =	smov.u32 s14;
	s19 =	smov.u32 s13;
	p2 =	sgt.s32 @!p1 s14, $0x1F  }
0x31: {  	s0 =	sand.u32 @!p1 $0x1FFFFFF, s12;
	s18 =	sshra.s32 @!p1 s14, $0x1F;
	p2 =	por !p2, p1  }
0x32: {  	s20 =	sshra.s32 @!p1 s13, $0x1F;
	s1 =	simm.s32 @p2 $0x1F;
	p2 =	sgt.s32 @!p1 s13, $0x73  }
0x33: {  	s2 =	smulhi.u32 @!p1 $0xAAAAAAB, s0;
	s18 =	sand.u32 @!p1 s18, s14;
	p2 =	por !p2, p1  }
0x34: {  	s20 =	sand.u32 @!p1 s20, s13;
	s1 =	ssub.s32 @!p1 s1, s18;
	s19 =	simm.s32 @p2 $0x73  }
0x35: {  	p2 =	sgt.s32 @!p1 s12, $0x17;
	s1 =	sadd.s32 @!p1 $0xFFFFFFE1, s1;
	s18 =	ssub.s32 @!p1 s19, s20  }
0x36: {  	p2 =	por !p2, p1;
	s20 =	smov.u32 s12;
	s19 =	sadd.s32 @!p1 $0xFFFFFF8D, s18  }
0x37: {  	s20 =	simm.s32 @p2 $0x17;
	p3 =	sgt.s32 @!p1 s19, $0x7F;
	s19 =	sshra.s32 @!p1 s12, $0x1F  }
0x38: {  	p2 =	sgt.s32 @!p1 s1, $0x0;
	s1 =	sshll.u32 @!p1 s1, $0x7;
	s19 =	sand.u32 @!p1 s19, s12  }
0x39: {  	s18 =	ssub.s32 @!p1 $0xF3, s18;
	s1 =	ssub.s32 @!p1 $0x80, s1;
	s19 =	ssub.s32 @!p1 s20, s19  }
0x3a: {  	p2 =	por !p2, p1;
	p3 =	por !p3, p1;
	s20 =	sadd.s32 @!p1 $0xFFFFFFE9, s19  }
0x3b: {  	s1 =	simm.s32 @!p2 $0x0;
	s18 =	simm.s32 @!p3 $0x0;
	p3 =	sgt.s32 @!p1 s20, $0x0  }
0x3c: {  	s19 =	ssub.s32 @!p1 $0x18, s19;
	s1 =	smul.u32 @!p1 s18, s1;
	p2 =	por !p3, p1  }
0x3d: {  	s2 =	smul.u32 @!p1 $0x18, s2;
	s19 =	simm.s32 @!p2 $0x0  }
0x3e: {  	s1 =	smul.u32 @!p1 s19, s1  }
0x3f: {  	s19 =	smul.u32 @!p1 $0x16C80, s14  }
0x40: {  	s0 =	ssub.s32 @!p1 s0, s2;
	s18 =	sxor.u32 @!p1 $0xFFFFFFFF, s9;
	s20 =	smul.u32 @!p1 $0x180, s13  }
0x41: {  	s0 =	sshll.u32 @!p1 s0, $0x4;
	s18 =	sshll.u32 @!p1 s18, $0xE;
	s2 =	sadd.s32 @!p1 s4, s19  }
0x42: {  	s18 =	sand.u32 @!p1 $0x4000, s18;
	s1 =	sand.u32 @!p1 $0x3FFFFF80, s1;
	s2 =	sadd.s32 @!p1 s20, s2  }
0x43: {  	s19 =	simm.s32 @!p1 $0xC00;
	s0 =	sadd.s32 @!p1 s0, s2;
	s2 =	simm.s32 @!p1 $0x80  }
0x44: {  	[tilespmem:s18], [sflag:$0x1] =	stream.strided.gather @!p1 [hbm4b:s0+s2], s1, s19, s2, $0x38;
	[tilespmem:$0x10000] =	vst v63  }
0x45: {  	p1 =	seq.s32 s9, $0x0  }
0x46: {  	p2 =	seq.s32 @!p1 s9, $0x23  }
0x47: {  	p1 =	por p1, p2  }
.Ltmp2:
0x48: {  	_ = 	snop;
	(pc) =	sbr.rel @p1 .LBB1_14-.Ltmp2, $1  }
0x49: {  	_ =	sdelay $0x3  }
0x4a: {  	p1 =	sgt.s32 s11, $0x1F  }
0x4b: {  	s0 =	smov.u32 s11;
	s1 =	sshra.s32 s11, $0x1F;
	s2 =	sshra.s32 s10, $0x1F  }
0x4c: {  	s28 =	ssub.s32 $0x0, s8;
	s29 =	sshra.s32 s8, $0x1F;
	p2 =	sgt.s32 s8, $0x17  }
0x4d: {  	s19 =	smov.u32 s8;
	s0 =	simm.s32 @!p1 $0x1F;
	s1 =	sand.u32 s1, s11  }
0x4e: {  	p1 =	sgt.s32 s10, $0x73;
	s0 =	ssub.s32 s0, s1;
	s1 =	smov.u32 s10  }
0x4f: {  	s2 =	sand.u32 s2, s10;
	s19 =	simm.s32 @!p2 $0x17;
	s1 =	simm.s32 @!p1 $0x73  }
0x50: {  	s18 =	sadd.s32 $0xFFFFFFE1, s0;
	s0 =	ssub.s32 $0x20, s0;
	s1 =	ssub.s32 s1, s2  }
0x51: {  	p1 =	sgt.s32 s18, $0x0;
	s18 =	sand.u32 s28, s29;
	s20 =	sadd.s32 $0xFFFFFF8D, s1  }
0x52: {  	s1 =	ssub.s32 $0xF3, s1;
	s2 =	sadd.s32 s18, s19;
	p2 =	sgt.s32 s20, $0x7F  }
0x53: {  	s0 =	simm.s32 @p1 $0x0;
	s19 =	sadd.s32 $0xFFFFFFE9, s2;
	s1 =	simm.s32 @p2 $0x0  }
0x54: {  	p1 =	sgt.s32 s19, $0x0;
	s0 =	smul.u32 s0, s1;
	s1 =	ssub.s32 $0x18, s2  }
0x55: {  	s2 =	sadd.s32 $0x1, s11;
	s1 =	simm.s32 @p1 $0x0  }
0x56: {  	p1 =	slt.s32 s2, $0x20;
	s19 =	sshll.u32 s0, $0x7;
	s0 =	sadd.s32 $0x80, s10  }
0x57: {  	s2 =	simm.s32 @!p1 $0x20;
	p1 =	slt.s32 s0, $0xF3  }
0x58: {  	s20 =	ssub.s32 s2, s11;
	s2 =	sadd.s32 $0x1, s8;
	s0 =	simm.s32 @!p1 $0xF3  }
0x59: {  	p1 =	slt.s32 s2, $0x11;
	p2 =	slt.s32 s20, $0x1;
	s22 =	ssub.s32 s0, s10  }
0x5a: {  	s2 =	simm.s32 @!p1 $0x11;
	p1 =	slt.s32 @!p2 s22, $0x1  }
0x5b: {  	s23 =	ssub.s32 s2, s8;
	p1 =	por p2, p1  }
0x5c: {  	p2 =	slt.s32 @!p1 s23, $0x1  }
0x5d: {  	s1 =	smul.u32 s1, s19;
	p1 =	por p1, p2  }
.Ltmp3:
0x5e: {  	_ = 	snop;
	(pc) =	sbr.rel @p1 .LBB1_13-.Ltmp3, $4  }
0x5f: {  	s30 =	sand.u32 $0x3FFFFF80, s1  }
0x60: {  	_ =	swait.ge [sflag:s3], s30  }
0x61: {  	s31 =	sshll.u32 s9, $0xE;
	s1 =	ssub.s32 $0x0, s30;
	[sflag:s3] =	ssyncset.done $0x0  }
0x62: {  	s21 =	sand.u32 $0x4000, s31;
	[sflag:s3] =	ssyncadd.s32 s1  }
.Ltmp4:
0x63: {  	s0 =	simm.s32 $0x1;
	(pc) =	sbr.rel .LBB1_4-.Ltmp4, $4  }
0x64: {  	s0 =	simm.s32 @!p0 $0x0  }
0x65: {  	s0 =	sshll.u32 s0, $0x10  }
0x66: {  	s0 =	sshrl.u32 s0, $0x2  }
0x67: {  	s25 =	simm.s32 $0x0;
	s26 =	simm.s32 $0x0;
	s24 =	sadd.s32 $0x8040, s0  }
.LBB1_12:
0x68: {  	s26 =	sadd.s32 $0x1, s26  }
0x69: {  	p1 =	sne.s32 s26, s20  }
.Ltmp5:
0x6a: {  	_ = 	snop;
	(pc) =	sbr.rel @!p1 .LBB1_13-.Ltmp5, $2  }
0x6b: {  	_ =	sdelay $0x2  }
0x6c: {  	s25 =	sadd.s32 $0x80, s25  }
.LBB1_4:
0x6d: {  	s0 =	sshll.u32 s26, $0x10  }
0x6e: {  	s1 =	sand.u32 $0x380, s25;
	s0 =	sshra.s32 s0, $0x2  }
0x6f: {  	s28 =	simm.s32 $0x0;
	s29 =	sadd.s32 s1, s24;
	s27 =	sadd.s32 s0, s21  }
.LBB1_5:
0x70: {  	s0 =	sshll.u32 s28, $0x9  }
0x71: {  	s0 =	sshra.s32 s0, $0x2  }
0x72: {  	p2 =	sne.s32 s23, $0x1;
	s0 =	sadd.s32 s0, s27  }
.Ltmp6:
0x73: {  	v0 =	vmov s0;
	(pc) =	sbr.rel @!p2 .LBB1_6-.Ltmp6, $3  }
0x74: {  	_ =	sdelay $0x1  }
0x75: {  	s1 =	simm.s32 $0x0  }
0x76: {  	s2 =	sadd.s32 $0xFFFFFFFF, s23;
	p1 =	por $0x0, $0x0;
	s0 =	sand.u32 $0x380, s1  }
0x77: {  	_ =	sdelay $0x3  }
0x78: {  	v1 =	vld.idx.msk [tilespmem:v0+s0+$0x70 ss:$0x1], $0xffff  }
0x79: {  	v7 =	vld.idx.msk [tilespmem:v0+s0+$0x0 ss:$0x1], $0xffff  }
0x7a: {  	v2 =	vld.idx.msk [tilespmem:v0+s0+$0x10 ss:$0x1], $0xffff;
	p2 =	sne.s32 s2, $0x1  }
.Ltmp7:
0x7b: {  	v4 =	vld.idx.msk [tilespmem:v0+s0+$0x20 ss:$0x1], $0xffff;
	(pc) =	sbr.rel @!p2 .LBB1_8-.Ltmp7, $4  }
0x7c: {  	v5 =	vld.idx.msk [tilespmem:v0+s0+$0x30 ss:$0x1], $0xffff  }
0x7d: {  	v6 =	vld.idx.msk [tilespmem:v0+s0+$0x40 ss:$0x1], $0xffff  }
0x7e: {  	v3 =	vld.idx.msk [tilespmem:v0+s0+$0x50 ss:$0x1], $0xffff;
	s1 =	simm.s32 $0x80;
	s2 =	sadd.s32 $0xFFFFFFFF, s2;
	[tilespmem:s29+$0x30] =	vst v1  }
0x7f: {  	p1 =	por $0x1, $0x1;
	s30 =	smov.u32 s29;
	s31 =	sand.u32 $0x380, s1;
	[tilespmem:s29+$0xFFFFFFC0] =	vst v7;
	v1 =	vld.idx.msk [tilespmem:v0+s0+$0x60 ss:$0x1], $0xffff  }
.LBB1_9:
0x80: {  	p2 =	sne.s32 s2, $0x1;
	v7 =	vld.idx.msk [tilespmem:v0+s31+$0x70 ss:$0x1], $0xffff;
	[tilespmem:s30+$0xFFFFFFD0] =	vst v2  }
0x81: {  	v8 =	vld.idx.msk [tilespmem:v0+s31+$0x0 ss:$0x1], $0xffff;
	[tilespmem:s30+$0xFFFFFFE0] =	vst v4  }
0x82: {  	v2 =	vld.idx.msk [tilespmem:v0+s31+$0x10 ss:$0x1], $0xffff;
	[tilespmem:s30+$0xFFFFFFF0] =	vst v5  }
.Ltmp8:
0x83: {  	v4 =	vld.idx.msk [tilespmem:v0+s31+$0x20 ss:$0x1], $0xffff;
	[tilespmem:s30+$0x0] =	vst v6;
	(pc) =	sbr.rel @p2 .LBB1_9-.Ltmp8, $4  }
0x84: {  	v5 =	vld.idx.msk [tilespmem:v0+s31+$0x30 ss:$0x1], $0xffff;
	[tilespmem:s30+$0x10] =	vst v3  }
0x85: {  	v6 =	vld.idx.msk [tilespmem:v0+s31+$0x40 ss:$0x1], $0xffff;
	[tilespmem:s30+$0x20] =	vst v1;
	s30 =	sadd.s32 $0x80, s30  }
0x86: {  	s1 =	sadd.s32 $0x80, s1;
	v3 =	vld.idx.msk [tilespmem:v0+s31+$0x50 ss:$0x1], $0xffff;
	[tilespmem:s30+$0x30] =	vst v7  }
0x87: {  	s2 =	sadd.s32 $0xFFFFFFFF, s2;
	[tilespmem:s30+$0xFFFFFFC0] =	vst v8;
	v1 =	vld.idx.msk [tilespmem:v0+s31+$0x60 ss:$0x1], $0xffff;
	s31 =	sand.u32 $0x380, s1  }
0x88: {  	s0 =	smov.u32 s31  }
.LBB1_11:
0x89: {  	_ =	sdelay $0x2  }
0x8a: {  	[tilespmem:s30+$0xFFFFFFD0] =	vst @p1 v2  }
0x8b: {  	v7 =	vld.idx.msk [tilespmem:v0+s0+$0x70 ss:$0x1], $0xffff;
	[tilespmem:s30+$0xFFFFFFE0] =	vst @p1 v4  }
0x8c: {  	v57 =	vld.idx.msk [tilespmem:v0+s0+$0x0 ss:$0x1], $0xffff;
	[tilespmem:s30+$0xFFFFFFF0] =	vst @p1 v5  }
0x8d: {  	v58 =	vld.idx.msk [tilespmem:v0+s0+$0x10 ss:$0x1], $0xffff;
	[tilespmem:s30+$0x0] =	vst @p1 v6  }
0x8e: {  	v59 =	vld.idx.msk [tilespmem:v0+s0+$0x20 ss:$0x1], $0xffff;
	s1 =	sadd.s32 @p1 $0x80, s30;
	[tilespmem:s30+$0x10] =	vst @p1 v3  }
0x8f: {  	s2 =	sadd.s32 $0x80, s29;
	v60 =	vld.idx.msk [tilespmem:v0+s0+$0x30 ss:$0x1], $0xffff;
	s29 =	smov.u32 @p1 s1;
	[tilespmem:s30+$0x20] =	vst @p1 v1  }
0x90: {  	v61 =	vld.idx.msk [tilespmem:v0+s0+$0x40 ss:$0x1], $0xffff;
	[tilespmem:s29+$0x30] =	vst v7  }
0x91: {  	v62 =	vld.idx.msk [tilespmem:v0+s0+$0x50 ss:$0x1], $0xffff;
	s28 =	sadd.s32 $0x1, s28;
	[tilespmem:s29+$0xFFFFFFC0] =	vst v57  }
0x92: {  	v63 =	vld.idx.msk [tilespmem:v0+s0+$0x60 ss:$0x1], $0xffff;
	p2 =	sne.s32 s28, s22;
	[tilespmem:s29+$0xFFFFFFD0] =	vst v58  }
.Ltmp9:
0x93: {  	[tilespmem:s29+$0xFFFFFFE0] =	vst v59;
	(pc) =	sbr.rel @p2 .LBB1_5-.Ltmp9, $4  }
.Ltmp10:
0x94: {  	[tilespmem:s29+$0xFFFFFFF0] =	vst v60;
	(pc) =	sbr.rel @!p2 .LBB1_12-.Ltmp10, $4  }
0x95: {  	[tilespmem:s29+$0x0] =	vst v61  }
0x96: {  	[tilespmem:s29+$0x10] =	vst v62  }
0x97: {  	[tilespmem:s29+$0x20] =	vst v63;
	s29 =	smov.u32 s2  }
0x98: {  	_ = 	snop  }
.LBB1_6:
.Ltmp11:
0x99: {  	(pc) =	sbr.rel .LBB1_11-.Ltmp11, $2  }
0x9a: {  	_ =	sdelay $0x2  }
0x9b: {  	s30 =	smov.u32 s29  }
.LBB1_8:
.Ltmp12:
0x9c: {  	(pc) =	sbr.rel .LBB1_11-.Ltmp12, $2  }
0x9d: {  	_ =	sdelay $0x2  }
0x9e: {  	s0 =	smov.u32 s31;
	s30 =	smov.u32 s29  }
.LBB1_15:
0x9f: {  	_ =	sfence.sel $0x180000  }
0xa0: {  	s0 =	simm.s32 $0x1;
	[bflag:$0x0] =	sbarrier.arrive $0xFFFF  }
0xa1: {  	s30 =	simm.s32 $0x2;
	[sflag:s0] =	ssyncpa.u1 $0x1  }
0xa2: {  	[sflag:s30] =	ssyncpa.u1 $0x1  }
0xa3: {  	_ =	strace $0x9000004D  }
0xa4: {  	s31 =	stileid.u32;
	[bflag:$0x2] =	sbarrier.arrive $0xFFFF  }
0xa5: {  	p0 =	sne.s32 s31, $0x0;
	s0 =	rddreg [dreg:$0x2]  }
0xa6: {  	s0 =	sadd.s32 @!p0 $0x100000, s0  }
0xa7: {  	[sflag:s0] =	ssyncadd.tile.s32 @!p0 $0x1;
	_ =	shalt  }
.Lfunc_end1:
_tile_overlayer_lowered:
.L_overlay_start_2:
0xa8: {  	(tag) =	ssettag $0x2  }
0xa9: {  	s0 =	rddreg [dreg:$0x0];
	s2 =	stileid.u32  }
0xaa: {  	s1 =	rddreg [dreg:$0x1];
	p0 =	sne.s32 s2, $0x0  }
0xab: {  	s3 =	rddreg [dreg:$0x2];
	[bflag:$0x3] =	sbarrier.arrive $0xFFFF;
	s2 =	simm.s32 @!p0 $0x1C01  }
0xac: {  	[timem:s3], [sflag:s2] =	dma.local @!p0 [hbm:s0], s1  }
0xad: {  	s0 =	simm.s32 @!p0 $0x1  }
0xae: {  	_ =	swait.ge @!p0 [sflag:s0], s1  }
0xaf: {  	s1 =	ssub.s32 @!p0 $0x0, s1;
	[sflag:s0] =	ssyncset.done @!p0 $0x0  }
0xb0: {  	[sflag:s0] =	ssyncadd.s32 @!p0 s1  }
0xb1: {  	[bflag:$0x3] =	sbarrier.arrive $0xFFFF  }
0xb2: {  	_ =	shalt  }

</sc_bundles>
